<compile_context>
chip_gen: v7x
topology: tpu7x:2x2x1
jax: 0.10.2.dev20260603
libtpu: 0.0.44.dev20260713+nightly
codegen_flags: <defaults>
</compile_context>

<pallas_src>
import functools

import jax
import jax.numpy as jnp
from jax import lax
from jax.experimental import pallas as pl
from jax.experimental.pallas import tpu as pltpu
from jax.experimental.pallas import tpu_sc as plsc

H = 128
LANES = 16
CHUNK = 128
NUM_R = 200
REG = 0.01



def _sc_parts_body(nc, ns, chunks_per_w,
                   embed_hbm, src_hbm, dst_hbm, rel_hbm, w_hbm,
                   out_hbm,
                   sidx0, didx0, ridx0, srows0, orows0, wrows0,
                   sidx1, didx1, ridx1, srows1, orows1, wrows1,
                   parts, sem0, sem1, semi0, semi1):
    wid = lax.axis_index("s") * nc + lax.axis_index("c")
    edges_per_w = chunks_per_w * CHUNK
    base_w = wid * edges_per_w
    bufs = ((sidx0, didx0, ridx0, srows0, orows0, wrows0, sem0, semi0),
            (sidx1, didx1, ridx1, srows1, orows1, wrows1, sem1, semi1))

    def fire_idx(c, b):
        sidx, didx, ridx, srows, orows, wrows, sem, semi = bufs[b]
        base = base_w + c * CHUNK
        pltpu.async_copy(src_hbm.at[pl.ds(base, CHUNK)], sidx, semi)
        pltpu.async_copy(dst_hbm.at[pl.ds(base, CHUNK)], didx, semi)
        pltpu.async_copy(rel_hbm.at[pl.ds(base, CHUNK)], ridx, semi)

    def fire_gather(c, b):
        sidx, didx, ridx, srows, orows, wrows, sem, semi = bufs[b]
        base = base_w + c * CHUNK
        pltpu.make_async_copy(src_hbm.at[pl.ds(base, CHUNK)], sidx, semi).wait()
        pltpu.make_async_copy(dst_hbm.at[pl.ds(base, CHUNK)], didx, semi).wait()
        pltpu.make_async_copy(rel_hbm.at[pl.ds(base, CHUNK)], ridx, semi).wait()
        pltpu.async_copy(embed_hbm.at[sidx], srows, sem)
        pltpu.async_copy(embed_hbm.at[didx], orows, sem)
        pltpu.async_copy(w_hbm.at[ridx], wrows, sem)

    def drain(b):
        sidx, didx, ridx, srows, orows, wrows, sem, semi = bufs[b]
        pltpu.make_async_copy(embed_hbm.at[sidx], srows, sem).wait()
        pltpu.make_async_copy(embed_hbm.at[didx], orows, sem).wait()
        pltpu.make_async_copy(w_hbm.at[ridx], wrows, sem).wait()

    def compute(c, b):
        sidx, didx, ridx, srows, orows, wrows, sem, semi = bufs[b]
        base = base_w + c * CHUNK

        unroll = 4

        def edge_body(g, _):
            for u in range(unroll):
                e = g * unroll + u
                acc = (srows[e, pl.ds(0, LANES)] * orows[e, pl.ds(0, LANES)]
                       * wrows[e, pl.ds(0, LANES)])
                for j in range(1, H // LANES):
                    acc = acc + (srows[e, pl.ds(j * LANES, LANES)]
                                 * orows[e, pl.ds(j * LANES, LANES)]
                                 * wrows[e, pl.ds(j * LANES, LANES)])
                parts[e, pl.ds(0, LANES)] = acc
            return 0

        lax.fori_loop(0, CHUNK // unroll, edge_body, 0)
        pltpu.sync_copy(parts, out_hbm.at[pl.ds(base, CHUNK)])

    fire_idx(0, 0)
    fire_idx(1, 1)
    fire_gather(0, 0)
    fire_gather(1, 1)

    def pair_body(k, _):
        c = 2 * k
        drain(0)

        @pl.when(c + 2 < chunks_per_w)
        def _():
            fire_idx(c + 2, 0)

        compute(c, 0)

        @pl.when(c + 2 < chunks_per_w)
        def _():
            fire_gather(c + 2, 0)

        drain(1)

        @pl.when(c + 3 < chunks_per_w)
        def _():
            fire_idx(c + 3, 1)

        compute(c + 1, 1)

        @pl.when(c + 3 < chunks_per_w)
        def _():
            fire_gather(c + 3, 1)

        return 0

    lax.fori_loop(0, chunks_per_w // 2, pair_body, 0)


def _sc_parts(embed, src, dst, rel, w_relation):
    e_pad = src.shape[0]
    info = plsc.get_sparse_core_info()
    nc, ns = info.num_cores, info.num_subcores
    nw = nc * ns
    chunks_per_w = e_pad // (nw * CHUNK)
    mesh = plsc.VectorSubcoreMesh(core_axis_name="c", subcore_axis_name="s")
    body = functools.partial(_sc_parts_body, nc, ns, chunks_per_w)
    buf_set = [
        pltpu.VMEM((CHUNK,), jnp.int32),
        pltpu.VMEM((CHUNK,), jnp.int32),
        pltpu.VMEM((CHUNK,), jnp.int32),
        pltpu.VMEM((CHUNK, H), jnp.float32),
        pltpu.VMEM((CHUNK, H), jnp.float32),
        pltpu.VMEM((CHUNK, H), jnp.float32),
    ]
    return pl.kernel(
        body,
        out_type=jax.ShapeDtypeStruct((e_pad, LANES), jnp.float32),
        mesh=mesh,
        scratch_types=buf_set + buf_set + [
            pltpu.VMEM((CHUNK, LANES), jnp.float32),
            pltpu.SemaphoreType.DMA,
            pltpu.SemaphoreType.DMA,
            pltpu.SemaphoreType.DMA,
            pltpu.SemaphoreType.DMA,
        ],
    )(embed, src, dst, rel, w_relation)



def _tc_loss_kernel(n_valid, br, parts_ref, labels_ref, embed_ref, w_ref,
                    out_ref):
    i = pl.program_id(0)

    @pl.when(i == 0)
    def _init():
        n_emb = embed_ref.shape[0] * embed_ref.shape[1]
        n_w = w_ref.shape[0] * w_ref.shape[1]
        reg = (jnp.sum(embed_ref[...] ** 2) / n_emb
               + jnp.sum(w_ref[...] ** 2) / n_w)
        out_ref[...] = jnp.reshape(REG * reg, (1, 1))

    p = parts_ref[...]
    d_iota = lax.broadcasted_iota(jnp.int32, (H, 8), 0)
    k_iota = lax.broadcasted_iota(jnp.int32, (H, 8), 1)
    fold = (d_iota // LANES == k_iota).astype(jnp.float32)
    s = jnp.dot(p, fold, preferred_element_type=jnp.float32)
    l = labels_ref[...]
    bce = jnp.maximum(s, 0.0) - s * l + jnp.log1p(jnp.exp(-jnp.abs(s)))
    row_i = lax.broadcasted_iota(jnp.int32, (br, 8), 0)
    k_i = lax.broadcasted_iota(jnp.int32, (br, 8), 1)
    edge_i = (i * br + row_i) * 8 + k_i
    bce = jnp.where(edge_i < n_valid, bce, 0.0)
    out_ref[...] += jnp.reshape(jnp.sum(bce) / n_valid, (1, 1))


def _tc_loss(n_valid, parts2, labels8, embed, w_relation):
    rows = parts2.shape[0]
    nb = 16
    while rows % nb:
        nb //= 2
    br = rows // nb
    kfn = functools.partial(_tc_loss_kernel, n_valid, br)
    return pl.pallas_call(
        kfn,
        grid=(nb,),
        in_specs=[
            pl.BlockSpec((br, H), lambda i: (i, 0)),
            pl.BlockSpec((br, 8), lambda i: (i, 0)),
            pl.BlockSpec(embed.shape, lambda i: (0, 0)),
            pl.BlockSpec(w_relation.shape, lambda i: (0, 0)),
        ],
        out_specs=pl.BlockSpec((1, 1), lambda i: (0, 0)),
        out_shape=jax.ShapeDtypeStruct((1, 1), jnp.float32),
    )(parts2, labels8, embed, w_relation)


def kernel(embed, src, rel, dst, labels, w_relation):
    e = src.shape[0]
    src = src.astype(jnp.int32)
    dst = dst.astype(jnp.int32)
    rel = rel.astype(jnp.int32)
    granule = 2 * 32 * CHUNK
    e_pad = ((e + granule - 1) // granule) * granule
    pad = e_pad - e
    src_p = jnp.pad(src, (0, pad))
    dst_p = jnp.pad(dst, (0, pad))
    rel_p = jnp.pad(rel, (0, pad))
    parts = _sc_parts(embed, src_p, dst_p, rel_p, w_relation)
    parts2 = parts.reshape(-1, H)
    labels8 = jnp.pad(labels, (0, pad)).reshape(-1, 8)
    loss = _tc_loss(e, parts2, labels8, embed, w_relation)
    return loss.reshape(())

# --- scband reference (transcript-rebuilt; emitter-appended) ---
"""Pipeline reference for scband-link-predict-14740327760517 (READ-ONLY COPY).

The authoritative reference and input builder live on the scoring server;
editing this copy changes nothing except your own understanding.
"""

import jax, jax.numpy as jnp
import numpy as np

NUM_NODES = 10000
NUM_RELS = 200
H_DIM = 128
E = 320000
REG_PARAM = 0.01


def setup_inputs(seed: int = 0) -> dict:
    key = jax.random.key(seed)
    k1, k2, k3, k4, k5, k6 = jax.random.split(key, 6)
    embed = jax.random.normal(k1, (NUM_NODES, H_DIM), dtype=jnp.float32)
    src = jax.random.randint(k2, (E,), 0, NUM_NODES)
    rel = jax.random.randint(k3, (E,), 0, NUM_RELS)
    dst = jax.random.randint(k4, (E,), 0, NUM_NODES)
    labels = jax.random.uniform(k5, (E,), dtype=jnp.float32)
    # xavier_uniform_ with relu gain for w_relation
    gain = float(np.sqrt(2.0))
    limit = gain * float(np.sqrt(6.0 / (NUM_RELS + H_DIM)))
    w_relation = jax.random.uniform(k6, (NUM_RELS, H_DIM), minval=-limit, maxval=limit, dtype=jnp.float32)
    return {"embed": embed, "src": src, "rel": rel, "dst": dst, "labels": labels, "w_relation": w_relation}


def _bce_with_logits_mean(logits, labels):
    # numerically stable binary_cross_entropy_with_logits, mean reduction
    return jnp.mean(jnp.maximum(logits, 0.0) - logits * labels + jnp.log1p(jnp.exp(-jnp.abs(logits))))


def reference(embed, src, rel, dst, labels, w_relation):
    # calc_score: DistMult scoring via embedding gathers
    s = jnp.take(embed, src, axis=0)
    r = jnp.take(w_relation, rel, axis=0)
    o = jnp.take(embed, dst, axis=0)
    score = jnp.sum(s * r * o, axis=1)
    predict_loss = _bce_with_logits_mean(score, labels)
    reg_loss = jnp.mean(embed ** 2) + jnp.mean(w_relation ** 2)
    return predict_loss + REG_PARAM * reg_loss

if __name__ == "__main__":
    import jax
    _d = setup_inputs()
    print(jax.jit(kernel)(*tuple(_d.values())))

</pallas_src>

<mosaic_0001>
#map = affine_map<(d0, d1) -> (0, 0)>
#map1 = affine_map<(d0, d1) -> (0)>
module attributes {stable_mosaic.version = 14 : i64} {
  func.func @_sc_parts_body(%arg0: i32, %arg1: i32, %arg2: memref<10000x128xf32, #tpu.memory_space<hbm>>, %arg3: memref<327680xi32, #tpu.memory_space<hbm>>, %arg4: memref<327680xi32, #tpu.memory_space<hbm>>, %arg5: memref<327680xi32, #tpu.memory_space<hbm>>, %arg6: memref<200x128xf32, #tpu.memory_space<hbm>>, %arg7: memref<327680x16xf32, #tpu.memory_space<hbm>>, %arg8: memref<128xi32, #tpu.memory_space<vmem>>, %arg9: memref<128xi32, #tpu.memory_space<vmem>>, %arg10: memref<128xi32, #tpu.memory_space<vmem>>, %arg11: memref<128x128xf32, #tpu.memory_space<vmem>>, %arg12: memref<128x128xf32, #tpu.memory_space<vmem>>, %arg13: memref<128x128xf32, #tpu.memory_space<vmem>>, %arg14: memref<128xi32, #tpu.memory_space<vmem>>, %arg15: memref<128xi32, #tpu.memory_space<vmem>>, %arg16: memref<128xi32, #tpu.memory_space<vmem>>, %arg17: memref<128x128xf32, #tpu.memory_space<vmem>>, %arg18: memref<128x128xf32, #tpu.memory_space<vmem>>, %arg19: memref<128x128xf32, #tpu.memory_space<vmem>>, %arg20: memref<128x16xf32, #tpu.memory_space<vmem>>, %arg21: memref<!tpu.dma_semaphore, #tpu.memory_space<semaphore_mem>>, %arg22: memref<!tpu.dma_semaphore, #tpu.memory_space<semaphore_mem>>, %arg23: memref<!tpu.dma_semaphore, #tpu.memory_space<semaphore_mem>>, %arg24: memref<!tpu.dma_semaphore, #tpu.memory_space<semaphore_mem>>) attributes {dimension_semantics = [#tpu.dimension_semantics<core_parallel>, #tpu.dimension_semantics<subcore_parallel>], iteration_bounds = array<i64: 2, 16>, scalar_prefetch = 0 : i64, scratch_operands = 17 : i64, tpu.core_type = #tpu.core_type<sc_vector_subcore>, window_params = [{transform_indices = #map}, {transform_indices = #map1}, {transform_indices = #map1}, {transform_indices = #map1}, {transform_indices = #map}, {transform_indices = #map}]} {
    %mul3A = arith.constant 2 : i32
    %mul3A_0 = arith.muli %arg1, %mul3A : i32
    %add3A = arith.addi %mul3A_0, %arg0 : i32
    %mul3A_1 = arith.constant 10240 : i32
    %mul3A_2 = arith.muli %add3A, %mul3A_1 : i32
    %add3A_3 = arith.constant 0 : i32
    %add3A_4 = arith.addi %mul3A_2, %add3A_3 : i32
    %dma_start3A = tpu.memref_slice %arg3[%add3A_4] : memref<327680xi32, #tpu.memory_space<hbm>> -> memref<128xi32, #tpu.memory_space<hbm>>
    %dma_start3A_5 = tpu.memref_slice %arg3[%add3A_4] : memref<327680xi32, #tpu.memory_space<hbm>> -> memref<128xi32, #tpu.memory_space<hbm>>
    tpu.enqueue_dma source(%dma_start3A_5 : memref<128xi32, #tpu.memory_space<hbm>>) target(%arg8 : memref<128xi32, #tpu.memory_space<vmem>>) target_semaphore(%arg23 : memref<!tpu.dma_semaphore, #tpu.memory_space<semaphore_mem>>)
    %dma_start3A_6 = tpu.memref_slice %arg4[%add3A_4] : memref<327680xi32, #tpu.memory_space<hbm>> -> memref<128xi32, #tpu.memory_space<hbm>>
    %dma_start3A_7 = tpu.memref_slice %arg4[%add3A_4] : memref<327680xi32, #tpu.memory_space<hbm>> -> memref<128xi32, #tpu.memory_space<hbm>>
    tpu.enqueue_dma source(%dma_start3A_7 : memref<128xi32, #tpu.memory_space<hbm>>) target(%arg9 : memref<128xi32, #tpu.memory_space<vmem>>) target_semaphore(%arg23 : memref<!tpu.dma_semaphore, #tpu.memory_space<semaphore_mem>>)
    %dma_start3A_8 = tpu.memref_slice %arg5[%add3A_4] : memref<327680xi32, #tpu.memory_space<hbm>> -> memref<128xi32, #tpu.memory_space<hbm>>
    %dma_start3A_9 = tpu.memref_slice %arg5[%add3A_4] : memref<327680xi32, #tpu.memory_space<hbm>> -> memref<128xi32, #tpu.memory_space<hbm>>
    tpu.enqueue_dma source(%dma_start3A_9 : memref<128xi32, #tpu.memory_space<hbm>>) target(%arg10 : memref<128xi32, #tpu.memory_space<vmem>>) target_semaphore(%arg23 : memref<!tpu.dma_semaphore, #tpu.memory_space<semaphore_mem>>)
    %add3A_10 = arith.constant 128 : i32
    %add3A_11 = arith.addi %mul3A_2, %add3A_10 : i32
    %dma_start3A_12 = tpu.memref_slice %arg3[%add3A_11] : memref<327680xi32, #tpu.memory_space<hbm>> -> memref<128xi32, #tpu.memory_space<hbm>>
    %dma_start3A_13 = tpu.memref_slice %arg3[%add3A_11] : memref<327680xi32, #tpu.memory_space<hbm>> -> memref<128xi32, #tpu.memory_space<hbm>>
    tpu.enqueue_dma source(%dma_start3A_13 : memref<128xi32, #tpu.memory_space<hbm>>) target(%arg14 : memref<128xi32, #tpu.memory_space<vmem>>) target_semaphore(%arg24 : memref<!tpu.dma_semaphore, #tpu.memory_space<semaphore_mem>>)
    %dma_start3A_14 = tpu.memref_slice %arg4[%add3A_11] : memref<327680xi32, #tpu.memory_space<hbm>> -> memref<128xi32, #tpu.memory_space<hbm>>
    %dma_start3A_15 = tpu.memref_slice %arg4[%add3A_11] : memref<327680xi32, #tpu.memory_space<hbm>> -> memref<128xi32, #tpu.memory_space<hbm>>
    tpu.enqueue_dma source(%dma_start3A_15 : memref<128xi32, #tpu.memory_space<hbm>>) target(%arg15 : memref<128xi32, #tpu.memory_space<vmem>>) target_semaphore(%arg24 : memref<!tpu.dma_semaphore, #tpu.memory_space<semaphore_mem>>)
    %dma_start3A_16 = tpu.memref_slice %arg5[%add3A_11] : memref<327680xi32, #tpu.memory_space<hbm>> -> memref<128xi32, #tpu.memory_space<hbm>>
    %dma_start3A_17 = tpu.memref_slice %arg5[%add3A_11] : memref<327680xi32, #tpu.memory_space<hbm>> -> memref<128xi32, #tpu.memory_space<hbm>>
    tpu.enqueue_dma source(%dma_start3A_17 : memref<128xi32, #tpu.memory_space<hbm>>) target(%arg16 : memref<128xi32, #tpu.memory_space<vmem>>) target_semaphore(%arg24 : memref<!tpu.dma_semaphore, #tpu.memory_space<semaphore_mem>>)
    %add3A_18 = arith.constant 0 : i32
    %add3A_19 = arith.addi %mul3A_2, %add3A_18 : i32
    %dma_wait3A = tpu.memref_slice %arg3[%add3A_19] : memref<327680xi32, #tpu.memory_space<hbm>> -> memref<128xi32, #tpu.memory_space<hbm>>
    %dma_wait3A_20 = tpu.memref_slice %arg3[%add3A_19] : memref<327680xi32, #tpu.memory_space<hbm>> -> memref<128xi32, #tpu.memory_space<hbm>>
    tpu.wait_dma2 semaphore(%arg23 : memref<!tpu.dma_semaphore, #tpu.memory_space<semaphore_mem>>) src(%dma_wait3A_20 : memref<128xi32, #tpu.memory_space<hbm>>) dst(%arg8 : memref<128xi32, #tpu.memory_space<vmem>>)
    %dma_wait3A_21 = tpu.memref_slice %arg4[%add3A_19] : memref<327680xi32, #tpu.memory_space<hbm>> -> memref<128xi32, #tpu.memory_space<hbm>>
    %dma_wait3A_22 = tpu.memref_slice %arg4[%add3A_19] : memref<327680xi32, #tpu.memory_space<hbm>> -> memref<128xi32, #tpu.memory_space<hbm>>
    tpu.wait_dma2 semaphore(%arg23 : memref<!tpu.dma_semaphore, #tpu.memory_space<semaphore_mem>>) src(%dma_wait3A_22 : memref<128xi32, #tpu.memory_space<hbm>>) dst(%arg9 : memref<128xi32, #tpu.memory_space<vmem>>)
    %dma_wait3A_23 = tpu.memref_slice %arg5[%add3A_19] : memref<327680xi32, #tpu.memory_space<hbm>> -> memref<128xi32, #tpu.memory_space<hbm>>
    %dma_wait3A_24 = tpu.memref_slice %arg5[%add3A_19] : memref<327680xi32, #tpu.memory_space<hbm>> -> memref<128xi32, #tpu.memory_space<hbm>>
    tpu.wait_dma2 semaphore(%arg23 : memref<!tpu.dma_semaphore, #tpu.memory_space<semaphore_mem>>) src(%dma_wait3A_24 : memref<128xi32, #tpu.memory_space<hbm>>) dst(%arg10 : memref<128xi32, #tpu.memory_space<vmem>>)
    %dma_start3A_25 = arith.constant 0 : i32
    %dma_start3A_26 = arith.constant 0 : i32
    %dma_start3A_27 = tpu.memref_slice %arg2[%dma_start3A_25, %dma_start3A_26] : memref<10000x128xf32, #tpu.memory_space<hbm>> -> memref<10000x128xf32, #tpu.memory_space<hbm>>
    tpu.enqueue_indirect_dma source(%dma_start3A_27 : memref<10000x128xf32, #tpu.memory_space<hbm>>) target(%arg11 : memref<128x128xf32, #tpu.memory_space<vmem>>) offsets(%arg8 : memref<128xi32, #tpu.memory_space<vmem>>) semaphore(%arg21 : memref<!tpu.dma_semaphore, #tpu.memory_space<semaphore_mem>>)
    %dma_start3A_28 = arith.constant 0 : i32
    %dma_start3A_29 = arith.constant 0 : i32
    %dma_start3A_30 = tpu.memref_slice %arg2[%dma_start3A_28, %dma_start3A_29] : memref<10000x128xf32, #tpu.memory_space<hbm>> -> memref<10000x128xf32, #tpu.memory_space<hbm>>
    tpu.enqueue_indirect_dma source(%dma_start3A_30 : memref<10000x128xf32, #tpu.memory_space<hbm>>) target(%arg12 : memref<128x128xf32, #tpu.memory_space<vmem>>) offsets(%arg9 : memref<128xi32, #tpu.memory_space<vmem>>) semaphore(%arg21 : memref<!tpu.dma_semaphore, #tpu.memory_space<semaphore_mem>>)
    %dma_start3A_31 = arith.constant 0 : i32
    %dma_start3A_32 = arith.constant 0 : i32
    %dma_start3A_33 = tpu.memref_slice %arg6[%dma_start3A_31, %dma_start3A_32] : memref<200x128xf32, #tpu.memory_space<hbm>> -> memref<200x128xf32, #tpu.memory_space<hbm>>
    tpu.enqueue_indirect_dma source(%dma_start3A_33 : memref<200x128xf32, #tpu.memory_space<hbm>>) target(%arg13 : memref<128x128xf32, #tpu.memory_space<vmem>>) offsets(%arg10 : memref<128xi32, #tpu.memory_space<vmem>>) semaphore(%arg21 : memref<!tpu.dma_semaphore, #tpu.memory_space<semaphore_mem>>)
    %add3A_34 = arith.constant 128 : i32
    %add3A_35 = arith.addi %mul3A_2, %add3A_34 : i32
    %dma_wait3A_36 = tpu.memref_slice %arg3[%add3A_35] : memref<327680xi32, #tpu.memory_space<hbm>> -> memref<128xi32, #tpu.memory_space<hbm>>
    %dma_wait3A_37 = tpu.memref_slice %arg3[%add3A_35] : memref<327680xi32, #tpu.memory_space<hbm>> -> memref<128xi32, #tpu.memory_space<hbm>>
    tpu.wait_dma2 semaphore(%arg24 : memref<!tpu.dma_semaphore, #tpu.memory_space<semaphore_mem>>) src(%dma_wait3A_37 : memref<128xi32, #tpu.memory_space<hbm>>) dst(%arg14 : memref<128xi32, #tpu.memory_space<vmem>>)
    %dma_wait3A_38 = tpu.memref_slice %arg4[%add3A_35] : memref<327680xi32, #tpu.memory_space<hbm>> -> memref<128xi32, #tpu.memory_space<hbm>>
    %dma_wait3A_39 = tpu.memref_slice %arg4[%add3A_35] : memref<327680xi32, #tpu.memory_space<hbm>> -> memref<128xi32, #tpu.memory_space<hbm>>
    tpu.wait_dma2 semaphore(%arg24 : memref<!tpu.dma_semaphore, #tpu.memory_space<semaphore_mem>>) src(%dma_wait3A_39 : memref<128xi32, #tpu.memory_space<hbm>>) dst(%arg15 : memref<128xi32, #tpu.memory_space<vmem>>)
    %dma_wait3A_40 = tpu.memref_slice %arg5[%add3A_35] : memref<327680xi32, #tpu.memory_space<hbm>> -> memref<128xi32, #tpu.memory_space<hbm>>
    %dma_wait3A_41 = tpu.memref_slice %arg5[%add3A_35] : memref<327680xi32, #tpu.memory_space<hbm>> -> memref<128xi32, #tpu.memory_space<hbm>>
    tpu.wait_dma2 semaphore(%arg24 : memref<!tpu.dma_semaphore, #tpu.memory_space<semaphore_mem>>) src(%dma_wait3A_41 : memref<128xi32, #tpu.memory_space<hbm>>) dst(%arg16 : memref<128xi32, #tpu.memory_space<vmem>>)
    %dma_start3A_42 = arith.constant 0 : i32
    %dma_start3A_43 = arith.constant 0 : i32
    %dma_start3A_44 = tpu.memref_slice %arg2[%dma_start3A_42, %dma_start3A_43] : memref<10000x128xf32, #tpu.memory_space<hbm>> -> memref<10000x128xf32, #tpu.memory_space<hbm>>
    tpu.enqueue_indirect_dma source(%dma_start3A_44 : memref<10000x128xf32, #tpu.memory_space<hbm>>) target(%arg17 : memref<128x128xf32, #tpu.memory_space<vmem>>) offsets(%arg14 : memref<128xi32, #tpu.memory_space<vmem>>) semaphore(%arg22 : memref<!tpu.dma_semaphore, #tpu.memory_space<semaphore_mem>>)
    %dma_start3A_45 = arith.constant 0 : i32
    %dma_start3A_46 = arith.constant 0 : i32
    %dma_start3A_47 = tpu.memref_slice %arg2[%dma_start3A_45, %dma_start3A_46] : memref<10000x128xf32, #tpu.memory_space<hbm>> -> memref<10000x128xf32, #tpu.memory_space<hbm>>
    tpu.enqueue_indirect_dma source(%dma_start3A_47 : memref<10000x128xf32, #tpu.memory_space<hbm>>) target(%arg18 : memref<128x128xf32, #tpu.memory_space<vmem>>) offsets(%arg15 : memref<128xi32, #tpu.memory_space<vmem>>) semaphore(%arg22 : memref<!tpu.dma_semaphore, #tpu.memory_space<semaphore_mem>>)
    %dma_start3A_48 = arith.constant 0 : i32
    %dma_start3A_49 = arith.constant 0 : i32
    %dma_start3A_50 = tpu.memref_slice %arg6[%dma_start3A_48, %dma_start3A_49] : memref<200x128xf32, #tpu.memory_space<hbm>> -> memref<200x128xf32, #tpu.memory_space<hbm>>
    tpu.enqueue_indirect_dma source(%dma_start3A_50 : memref<200x128xf32, #tpu.memory_space<hbm>>) target(%arg19 : memref<128x128xf32, #tpu.memory_space<vmem>>) offsets(%arg16 : memref<128xi32, #tpu.memory_space<vmem>>) semaphore(%arg22 : memref<!tpu.dma_semaphore, #tpu.memory_space<semaphore_mem>>)
    %scan3A = arith.constant 0 : i32
    %scan3A_51 = arith.constant 0 : i32
    %scan3A_52 = arith.constant 40 : i32
    %scan3A_53 = arith.addi %scan3A_51, %scan3A_52 : i32
    %scan3A_54 = arith.constant 1 : i32
    %scan3A_55 = scf.for %scan3A_57 = %scan3A_51 to %scan3A_53 step %scan3A_54 iter_args(%scan3A_58 = %scan3A) -> (i32)  : i32 {
      %mul3A_59 = arith.constant 2 : i32
      %mul3A_60 = arith.muli %mul3A_59, %scan3A_57 : i32
      %dma_wait3A_61 = arith.constant 0 : i32
      %dma_wait3A_62 = arith.constant 0 : i32
      %dma_wait3A_63 = tpu.memref_slice %arg2[%dma_wait3A_61, %dma_wait3A_62] : memref<10000x128xf32, #tpu.memory_space<hbm>> -> memref<10000x128xf32, #tpu.memory_space<hbm>>
      tpu.wait_indirect_dma semaphore(%arg21 : memref<!tpu.dma_semaphore, #tpu.memory_space<semaphore_mem>>) src(%dma_wait3A_63 : memref<10000x128xf32, #tpu.memory_space<hbm>>) dst(%arg11 : memref<128x128xf32, #tpu.memory_space<vmem>>)
      %dma_wait3A_64 = arith.constant 0 : i32
      %dma_wait3A_65 = arith.constant 0 : i32
      %dma_wait3A_66 = tpu.memref_slice %arg2[%dma_wait3A_64, %dma_wait3A_65] : memref<10000x128xf32, #tpu.memory_space<hbm>> -> memref<10000x128xf32, #tpu.memory_space<hbm>>
      tpu.wait_indirect_dma semaphore(%arg21 : memref<!tpu.dma_semaphore, #tpu.memory_space<semaphore_mem>>) src(%dma_wait3A_66 : memref<10000x128xf32, #tpu.memory_space<hbm>>) dst(%arg12 : memref<128x128xf32, #tpu.memory_space<vmem>>)
      %dma_wait3A_67 = arith.constant 0 : i32
      %dma_wait3A_68 = arith.constant 0 : i32
      %dma_wait3A_69 = tpu.memref_slice %arg6[%dma_wait3A_67, %dma_wait3A_68] : memref<200x128xf32, #tpu.memory_space<hbm>> -> memref<200x128xf32, #tpu.memory_space<hbm>>
      tpu.wait_indirect_dma semaphore(%arg21 : memref<!tpu.dma_semaphore, #tpu.memory_space<semaphore_mem>>) src(%dma_wait3A_69 : memref<200x128xf32, #tpu.memory_space<hbm>>) dst(%arg13 : memref<128x128xf32, #tpu.memory_space<vmem>>)
      %add3A_70 = arith.constant 2 : i32
      %add3A_71 = arith.addi %mul3A_60, %add3A_70 : i32
      %lt3A = arith.constant 80 : i32
      %lt3A_72 = arith.cmpi slt, %add3A_71, %lt3A : i32
      %convert_element_type3A = arith.extui %lt3A_72 : i1 to i32
      %cond3A = arith.constant 0 : i32
      %cond3A_73 = arith.cmpi ne, %convert_element_type3A, %cond3A : i32
      scf.if %cond3A_73 {
        %add3A_127 = arith.constant 2 : i32
        %add3A_128 = arith.addi %mul3A_60, %add3A_127 : i32
        %mul3A_129 = arith.constant 128 : i32
        %mul3A_130 = arith.muli %add3A_128, %mul3A_129 : i32
        %add3A_131 = arith.addi %mul3A_2, %mul3A_130 : i32
        %dma_start3A_132 = tpu.memref_slice %arg3[%add3A_131] : memref<327680xi32, #tpu.memory_space<hbm>> -> memref<128xi32, #tpu.memory_space<hbm>>
        %dma_start3A_133 = tpu.memref_slice %arg3[%add3A_131] : memref<327680xi32, #tpu.memory_space<hbm>> -> memref<128xi32, #tpu.memory_space<hbm>>
        tpu.enqueue_dma source(%dma_start3A_133 : memref<128xi32, #tpu.memory_space<hbm>>) target(%arg8 : memref<128xi32, #tpu.memory_space<vmem>>) target_semaphore(%arg23 : memref<!tpu.dma_semaphore, #tpu.memory_space<semaphore_mem>>)
        %dma_start3A_134 = tpu.memref_slice %arg4[%add3A_131] : memref<327680xi32, #tpu.memory_space<hbm>> -> memref<128xi32, #tpu.memory_space<hbm>>
        %dma_start3A_135 = tpu.memref_slice %arg4[%add3A_131] : memref<327680xi32, #tpu.memory_space<hbm>> -> memref<128xi32, #tpu.memory_space<hbm>>
        tpu.enqueue_dma source(%dma_start3A_135 : memref<128xi32, #tpu.memory_space<hbm>>) target(%arg9 : memref<128xi32, #tpu.memory_space<vmem>>) target_semaphore(%arg23 : memref<!tpu.dma_semaphore, #tpu.memory_space<semaphore_mem>>)
        %dma_start3A_136 = tpu.memref_slice %arg5[%add3A_131] : memref<327680xi32, #tpu.memory_space<hbm>> -> memref<128xi32, #tpu.memory_space<hbm>>
        %dma_start3A_137 = tpu.memref_slice %arg5[%add3A_131] : memref<327680xi32, #tpu.memory_space<hbm>> -> memref<128xi32, #tpu.memory_space<hbm>>
        tpu.enqueue_dma source(%dma_start3A_137 : memref<128xi32, #tpu.memory_space<hbm>>) target(%arg10 : memref<128xi32, #tpu.memory_space<vmem>>) target_semaphore(%arg23 : memref<!tpu.dma_semaphore, #tpu.memory_space<semaphore_mem>>)
      } else {
      }
      %mul3A_74 = arith.constant 128 : i32
      %mul3A_75 = arith.muli %mul3A_60, %mul3A_74 : i32
      %add3A_76 = arith.addi %mul3A_2, %mul3A_75 : i32
      %scan3A_77 = arith.constant 0 : i32
      %scan3A_78 = arith.constant 0 : i32
      %scan3A_79 = arith.constant 32 : i32
      %scan3A_80 = arith.addi %scan3A_78, %scan3A_79 : i32
      %scan3A_81 = arith.constant 1 : i32
      %scan3A_82 = scf.for %scan3A_127 = %scan3A_78 to %scan3A_80 step %scan3A_81 iter_args(%scan3A_128 = %scan3A_77) -> (i32)  : i32 {
        %mul3A_129 = arith.constant 4 : i32
        %mul3A_130 = arith.muli %scan3A_127, %mul3A_129 : i32
        %add3A_131 = arith.constant 0 : i32
        %add3A_132 = arith.addi %mul3A_130, %add3A_131 : i32
        %get3A = arith.index_cast %add3A_132 : i32 to index
        %get3A_133 = arith.constant 0 : index
        %get3A_134 = tpu.vector_load %arg11[%get3A, %get3A_133] {strides = array<i32>} : memref<128x128xf32, #tpu.memory_space<vmem>>, vector<1x16xf32>,
        %get3A_135 = vector.shape_cast %get3A_134 : vector<1x16xf32> to vector<16xf32>
        %get3A_136 = arith.index_cast %add3A_132 : i32 to index
        %get3A_137 = arith.constant 0 : index
        %get3A_138 = tpu.vector_load %arg12[%get3A_136, %get3A_137] {strides = array<i32>} : memref<128x128xf32, #tpu.memory_space<vmem>>, vector<1x16xf32>,
        %get3A_139 = vector.shape_cast %get3A_138 : vector<1x16xf32> to vector<16xf32>
        %mul3A_140 = arith.mulf %get3A_135, %get3A_139 : vector<16xf32>
        %get3A_141 = arith.index_cast %add3A_132 : i32 to index
        %get3A_142 = arith.constant 0 : index
        %get3A_143 = tpu.vector_load %arg13[%get3A_141, %get3A_142] {strides = array<i32>} : memref<128x128xf32, #tpu.memory_space<vmem>>, vector<1x16xf32>,
        %get3A_144 = vector.shape_cast %get3A_143 : vector<1x16xf32> to vector<16xf32>
        %mul3A_145 = arith.mulf %mul3A_140, %get3A_144 : vector<16xf32>
        %get3A_146 = arith.index_cast %add3A_132 : i32 to index
        %get3A_147 = arith.constant 16 : index
        %get3A_148 = tpu.vector_load %arg11[%get3A_146, %get3A_147] {strides = array<i32>} : memref<128x128xf32, #tpu.memory_space<vmem>>, vector<1x16xf32>,
        %get3A_149 = vector.shape_cast %get3A_148 : vector<1x16xf32> to vector<16xf32>
        %get3A_150 = arith.index_cast %add3A_132 : i32 to index
        %get3A_151 = arith.constant 16 : index
        %get3A_152 = tpu.vector_load %arg12[%get3A_150, %get3A_151] {strides = array<i32>} : memref<128x128xf32, #tpu.memory_space<vmem>>, vector<1x16xf32>,
        %get3A_153 = vector.shape_cast %get3A_152 : vector<1x16xf32> to vector<16xf32>
        %mul3A_154 = arith.mulf %get3A_149, %get3A_153 : vector<16xf32>
        %get3A_155 = arith.index_cast %add3A_132 : i32 to index
        %get3A_156 = arith.constant 16 : index
        %get3A_157 = tpu.vector_load %arg13[%get3A_155, %get3A_156] {strides = array<i32>} : memref<128x128xf32, #tpu.memory_space<vmem>>, vector<1x16xf32>,
        %get3A_158 = vector.shape_cast %get3A_157 : vector<1x16xf32> to vector<16xf32>
        %mul3A_159 = arith.mulf %mul3A_154, %get3A_158 : vector<16xf32>
        %add3A_160 = arith.addf %mul3A_145, %mul3A_159 : vector<16xf32>
        %get3A_161 = arith.index_cast %add3A_132 : i32 to index
        %get3A_162 = arith.constant 32 : index
        %get3A_163 = tpu.vector_load %arg11[%get3A_161, %get3A_162] {strides = array<i32>} : memref<128x128xf32, #tpu.memory_space<vmem>>, vector<1x16xf32>,
        %get3A_164 = vector.shape_cast %get3A_163 : vector<1x16xf32> to vector<16xf32>
        %get3A_165 = arith.index_cast %add3A_132 : i32 to index
        %get3A_166 = arith.constant 32 : index
        %get3A_167 = tpu.vector_load %arg12[%get3A_165, %get3A_166] {strides = array<i32>} : memref<128x128xf32, #tpu.memory_space<vmem>>, vector<1x16xf32>,
        %get3A_168 = vector.shape_cast %get3A_167 : vector<1x16xf32> to vector<16xf32>
        %mul3A_169 = arith.mulf %get3A_164, %get3A_168 : vector<16xf32>
        %get3A_170 = arith.index_cast %add3A_132 : i32 to index
        %get3A_171 = arith.constant 32 : index
        %get3A_172 = tpu.vector_load %arg13[%get3A_170, %get3A_171] {strides = array<i32>} : memref<128x128xf32, #tpu.memory_space<vmem>>, vector<1x16xf32>,
        %get3A_173 = vector.shape_cast %get3A_172 : vector<1x16xf32> to vector<16xf32>
        %mul3A_174 = arith.mulf %mul3A_169, %get3A_173 : vector<16xf32>
        %add3A_175 = arith.addf %add3A_160, %mul3A_174 : vector<16xf32>
        %get3A_176 = arith.index_cast %add3A_132 : i32 to index
        %get3A_177 = arith.constant 48 : index
        %get3A_178 = tpu.vector_load %arg11[%get3A_176, %get3A_177] {strides = array<i32>} : memref<128x128xf32, #tpu.memory_space<vmem>>, vector<1x16xf32>,
        %get3A_179 = vector.shape_cast %get3A_178 : vector<1x16xf32> to vector<16xf32>
        %get3A_180 = arith.index_cast %add3A_132 : i32 to index
        %get3A_181 = arith.constant 48 : index
        %get3A_182 = tpu.vector_load %arg12[%get3A_180, %get3A_181] {strides = array<i32>} : memref<128x128xf32, #tpu.memory_space<vmem>>, vector<1x16xf32>,
        %get3A_183 = vector.shape_cast %get3A_182 : vector<1x16xf32> to vector<16xf32>
        %mul3A_184 = arith.mulf %get3A_179, %get3A_183 : vector<16xf32>
        %get3A_185 = arith.index_cast %add3A_132 : i32 to index
        %get3A_186 = arith.constant 48 : index
        %get3A_187 = tpu.vector_load %arg13[%get3A_185, %get3A_186] {strides = array<i32>} : memref<128x128xf32, #tpu.memory_space<vmem>>, vector<1x16xf32>,
        %get3A_188 = vector.shape_cast %get3A_187 : vector<1x16xf32> to vector<16xf32>
        %mul3A_189 = arith.mulf %mul3A_184, %get3A_188 : vector<16xf32>
        %add3A_190 = arith.addf %add3A_175, %mul3A_189 : vector<16xf32>
        %get3A_191 = arith.index_cast %add3A_132 : i32 to index
        %get3A_192 = arith.constant 64 : index
        %get3A_193 = tpu.vector_load %arg11[%get3A_191, %get3A_192] {strides = array<i32>} : memref<128x128xf32, #tpu.memory_space<vmem>>, vector<1x16xf32>,
        %get3A_194 = vector.shape_cast %get3A_193 : vector<1x16xf32> to vector<16xf32>
        %get3A_195 = arith.index_cast %add3A_132 : i32 to index
        %get3A_196 = arith.constant 64 : index
        %get3A_197 = tpu.vector_load %arg12[%get3A_195, %get3A_196] {strides = array<i32>} : memref<128x128xf32, #tpu.memory_space<vmem>>, vector<1x16xf32>,
        %get3A_198 = vector.shape_cast %get3A_197 : vector<1x16xf32> to vector<16xf32>
        %mul3A_199 = arith.mulf %get3A_194, %get3A_198 : vector<16xf32>
        %get3A_200 = arith.index_cast %add3A_132 : i32 to index
        %get3A_201 = arith.constant 64 : index
        %get3A_202 = tpu.vector_load %arg13[%get3A_200, %get3A_201] {strides = array<i32>} : memref<128x128xf32, #tpu.memory_space<vmem>>, vector<1x16xf32>,
        %get3A_203 = vector.shape_cast %get3A_202 : vector<1x16xf32> to vector<16xf32>
        %mul3A_204 = arith.mulf %mul3A_199, %get3A_203 : vector<16xf32>
        %add3A_205 = arith.addf %add3A_190, %mul3A_204 : vector<16xf32>
        %get3A_206 = arith.index_cast %add3A_132 : i32 to index
        %get3A_207 = arith.constant 80 : index
        %get3A_208 = tpu.vector_load %arg11[%get3A_206, %get3A_207] {strides = array<i32>} : memref<128x128xf32, #tpu.memory_space<vmem>>, vector<1x16xf32>,
        %get3A_209 = vector.shape_cast %get3A_208 : vector<1x16xf32> to vector<16xf32>
        %get3A_210 = arith.index_cast %add3A_132 : i32 to index
        %get3A_211 = arith.constant 80 : index
        %get3A_212 = tpu.vector_load %arg12[%get3A_210, %get3A_211] {strides = array<i32>} : memref<128x128xf32, #tpu.memory_space<vmem>>, vector<1x16xf32>,
        %get3A_213 = vector.shape_cast %get3A_212 : vector<1x16xf32> to vector<16xf32>
        %mul3A_214 = arith.mulf %get3A_209, %get3A_213 : vector<16xf32>
        %get3A_215 = arith.index_cast %add3A_132 : i32 to index
        %get3A_216 = arith.constant 80 : index
        %get3A_217 = tpu.vector_load %arg13[%get3A_215, %get3A_216] {strides = array<i32>} : memref<128x128xf32, #tpu.memory_space<vmem>>, vector<1x16xf32>,
        %get3A_218 = vector.shape_cast %get3A_217 : vector<1x16xf32> to vector<16xf32>
        %mul3A_219 = arith.mulf %mul3A_214, %get3A_218 : vector<16xf32>
        %add3A_220 = arith.addf %add3A_205, %mul3A_219 : vector<16xf32>
        %get3A_221 = arith.index_cast %add3A_132 : i32 to index
        %get3A_222 = arith.constant 96 : index
        %get3A_223 = tpu.vector_load %arg11[%get3A_221, %get3A_222] {strides = array<i32>} : memref<128x128xf32, #tpu.memory_space<vmem>>, vector<1x16xf32>,
        %get3A_224 = vector.shape_cast %get3A_223 : vector<1x16xf32> to vector<16xf32>
        %get3A_225 = arith.index_cast %add3A_132 : i32 to index
        %get3A_226 = arith.constant 96 : index
        %get3A_227 = tpu.vector_load %arg12[%get3A_225, %get3A_226] {strides = array<i32>} : memref<128x128xf32, #tpu.memory_space<vmem>>, vector<1x16xf32>,
        %get3A_228 = vector.shape_cast %get3A_227 : vector<1x16xf32> to vector<16xf32>
        %mul3A_229 = arith.mulf %get3A_224, %get3A_228 : vector<16xf32>
        %get3A_230 = arith.index_cast %add3A_132 : i32 to index
        %get3A_231 = arith.constant 96 : index
        %get3A_232 = tpu.vector_load %arg13[%get3A_230, %get3A_231] {strides = array<i32>} : memref<128x128xf32, #tpu.memory_space<vmem>>, vector<1x16xf32>,
        %get3A_233 = vector.shape_cast %get3A_232 : vector<1x16xf32> to vector<16xf32>
        %mul3A_234 = arith.mulf %mul3A_229, %get3A_233 : vector<16xf32>
        %add3A_235 = arith.addf %add3A_220, %mul3A_234 : vector<16xf32>
        %get3A_236 = arith.index_cast %add3A_132 : i32 to index
        %get3A_237 = arith.constant 112 : index
        %get3A_238 = tpu.vector_load %arg11[%get3A_236, %get3A_237] {strides = array<i32>} : memref<128x128xf32, #tpu.memory_space<vmem>>, vector<1x16xf32>,
        %get3A_239 = vector.shape_cast %get3A_238 : vector<1x16xf32> to vector<16xf32>
        %get3A_240 = arith.index_cast %add3A_132 : i32 to index
        %get3A_241 = arith.constant 112 : index
        %get3A_242 = tpu.vector_load %arg12[%get3A_240, %get3A_241] {strides = array<i32>} : memref<128x128xf32, #tpu.memory_space<vmem>>, vector<1x16xf32>,
        %get3A_243 = vector.shape_cast %get3A_242 : vector<1x16xf32> to vector<16xf32>
        %mul3A_244 = arith.mulf %get3A_239, %get3A_243 : vector<16xf32>
        %get3A_245 = arith.index_cast %add3A_132 : i32 to index
        %get3A_246 = arith.constant 112 : index
        %get3A_247 = tpu.vector_load %arg13[%get3A_245, %get3A_246] {strides = array<i32>} : memref<128x128xf32, #tpu.memory_space<vmem>>, vector<1x16xf32>,
        %get3A_248 = vector.shape_cast %get3A_247 : vector<1x16xf32> to vector<16xf32>
        %mul3A_249 = arith.mulf %mul3A_244, %get3A_248 : vector<16xf32>
        %add3A_250 = arith.addf %add3A_235, %mul3A_249 : vector<16xf32>
        %swap3A = arith.index_cast %add3A_132 : i32 to index
        %swap3A_251 = arith.constant 0 : index
        %swap3A_252 = tpu.vector_load %arg20[%swap3A, %swap3A_251] {strides = array<i32>} : memref<128x16xf32, #tpu.memory_space<vmem>>, vector<1x16xf32>,
        %swap3A_253 = vector.shape_cast %swap3A_252 : vector<1x16xf32> to vector<16xf32>
        %swap3A_254 = vector.shape_cast %add3A_250 : vector<16xf32> to vector<1x16xf32>
        tpu.vector_store %arg20[%swap3A, %swap3A_251], %swap3A_254 {strides = array<i32>} : memref<128x16xf32, #tpu.memory_space<vmem>>, vector<1x16xf32>,
        %mul3A_255 = arith.constant 4 : i32
        %mul3A_256 = arith.muli %scan3A_127, %mul3A_255 : i32
        %add3A_257 = arith.constant 1 : i32
        %add3A_258 = arith.addi %mul3A_256, %add3A_257 : i32
        %get3A_259 = arith.index_cast %add3A_258 : i32 to index
        %get3A_260 = arith.constant 0 : index
        %get3A_261 = tpu.vector_load %arg11[%get3A_259, %get3A_260] {strides = array<i32>} : memref<128x128xf32, #tpu.memory_space<vmem>>, vector<1x16xf32>,
        %get3A_262 = vector.shape_cast %get3A_261 : vector<1x16xf32> to vector<16xf32>
        %get3A_263 = arith.index_cast %add3A_258 : i32 to index
        %get3A_264 = arith.constant 0 : index
        %get3A_265 = tpu.vector_load %arg12[%get3A_263, %get3A_264] {strides = array<i32>} : memref<128x128xf32, #tpu.memory_space<vmem>>, vector<1x16xf32>,
        %get3A_266 = vector.shape_cast %get3A_265 : vector<1x16xf32> to vector<16xf32>
        %mul3A_267 = arith.mulf %get3A_262, %get3A_266 : vector<16xf32>
        %get3A_268 = arith.index_cast %add3A_258 : i32 to index
        %get3A_269 = arith.constant 0 : index
        %get3A_270 = tpu.vector_load %arg13[%get3A_268, %get3A_269] {strides = array<i32>} : memref<128x128xf32, #tpu.memory_space<vmem>>, vector<1x16xf32>,
        %get3A_271 = vector.shape_cast %get3A_270 : vector<1x16xf32> to vector<16xf32>
        %mul3A_272 = arith.mulf %mul3A_267, %get3A_271 : vector<16xf32>
        %get3A_273 = arith.index_cast %add3A_258 : i32 to index
        %get3A_274 = arith.constant 16 : index
        %get3A_275 = tpu.vector_load %arg11[%get3A_273, %get3A_274] {strides = array<i32>} : memref<128x128xf32, #tpu.memory_space<vmem>>, vector<1x16xf32>,
        %get3A_276 = vector.shape_cast %get3A_275 : vector<1x16xf32> to vector<16xf32>
        %get3A_277 = arith.index_cast %add3A_258 : i32 to index
        %get3A_278 = arith.constant 16 : index
        %get3A_279 = tpu.vector_load %arg12[%get3A_277, %get3A_278] {strides = array<i32>} : memref<128x128xf32, #tpu.memory_space<vmem>>, vector<1x16xf32>,
        %get3A_280 = vector.shape_cast %get3A_279 : vector<1x16xf32> to vector<16xf32>
        %mul3A_281 = arith.mulf %get3A_276, %get3A_280 : vector<16xf32>
        %get3A_282 = arith.index_cast %add3A_258 : i32 to index
        %get3A_283 = arith.constant 16 : index
        %get3A_284 = tpu.vector_load %arg13[%get3A_282, %get3A_283] {strides = array<i32>} : memref<128x128xf32, #tpu.memory_space<vmem>>, vector<1x16xf32>,
        %get3A_285 = vector.shape_cast %get3A_284 : vector<1x16xf32> to vector<16xf32>
        %mul3A_286 = arith.mulf %mul3A_281, %get3A_285 : vector<16xf32>
        %add3A_287 = arith.addf %mul3A_272, %mul3A_286 : vector<16xf32>
        %get3A_288 = arith.index_cast %add3A_258 : i32 to index
        %get3A_289 = arith.constant 32 : index
        %get3A_290 = tpu.vector_load %arg11[%get3A_288, %get3A_289] {strides = array<i32>} : memref<128x128xf32, #tpu.memory_space<vmem>>, vector<1x16xf32>,
        %get3A_291 = vector.shape_cast %get3A_290 : vector<1x16xf32> to vector<16xf32>
        %get3A_292 = arith.index_cast %add3A_258 : i32 to index
        %get3A_293 = arith.constant 32 : index
        %get3A_294 = tpu.vector_load %arg12[%get3A_292, %get3A_293] {strides = array<i32>} : memref<128x128xf32, #tpu.memory_space<vmem>>, vector<1x16xf32>,
        %get3A_295 = vector.shape_cast %get3A_294 : vector<1x16xf32> to vector<16xf32>
        %mul3A_296 = arith.mulf %get3A_291, %get3A_295 : vector<16xf32>
        %get3A_297 = arith.index_cast %add3A_258 : i32 to index
        %get3A_298 = arith.constant 32 : index
        %get3A_299 = tpu.vector_load %arg13[%get3A_297, %get3A_298] {strides = array<i32>} : memref<128x128xf32, #tpu.memory_space<vmem>>, vector<1x16xf32>,
        %get3A_300 = vector.shape_cast %get3A_299 : vector<1x16xf32> to vector<16xf32>
        %mul3A_301 = arith.mulf %mul3A_296, %get3A_300 : vector<16xf32>
        %add3A_302 = arith.addf %add3A_287, %mul3A_301 : vector<16xf32>
        %get3A_303 = arith.index_cast %add3A_258 : i32 to index
        %get3A_304 = arith.constant 48 : index
        %get3A_305 = tpu.vector_load %arg11[%get3A_303, %get3A_304] {strides = array<i32>} : memref<128x128xf32, #tpu.memory_space<vmem>>, vector<1x16xf32>,
        %get3A_306 = vector.shape_cast %get3A_305 : vector<1x16xf32> to vector<16xf32>
        %get3A_307 = arith.index_cast %add3A_258 : i32 to index
        %get3A_308 = arith.constant 48 : index
        %get3A_309 = tpu.vector_load %arg12[%get3A_307, %get3A_308] {strides = array<i32>} : memref<128x128xf32, #tpu.memory_space<vmem>>, vector<1x16xf32>,
        %get3A_310 = vector.shape_cast %get3A_309 : vector<1x16xf32> to vector<16xf32>
        %mul3A_311 = arith.mulf %get3A_306, %get3A_310 : vector<16xf32>
        %get3A_312 = arith.index_cast %add3A_258 : i32 to index
        %get3A_313 = arith.constant 48 : index
        %get3A_314 = tpu.vector_load %arg13[%get3A_312, %get3A_313] {strides = array<i32>} : memref<128x128xf32, #tpu.memory_space<vmem>>, vector<1x16xf32>,
        %get3A_315 = vector.shape_cast %get3A_314 : vector<1x16xf32> to vector<16xf32>
        %mul3A_316 = arith.mulf %mul3A_311, %get3A_315 : vector<16xf32>
        %add3A_317 = arith.addf %add3A_302, %mul3A_316 : vector<16xf32>
        %get3A_318 = arith.index_cast %add3A_258 : i32 to index
        %get3A_319 = arith.constant 64 : index
        %get3A_320 = tpu.vector_load %arg11[%get3A_318, %get3A_319] {strides = array<i32>} : memref<128x128xf32, #tpu.memory_space<vmem>>, vector<1x16xf32>,
        %get3A_321 = vector.shape_cast %get3A_320 : vector<1x16xf32> to vector<16xf32>
        %get3A_322 = arith.index_cast %add3A_258 : i32 to index
        %get3A_323 = arith.constant 64 : index
        %get3A_324 = tpu.vector_load %arg12[%get3A_322, %get3A_323] {strides = array<i32>} : memref<128x128xf32, #tpu.memory_space<vmem>>, vector<1x16xf32>,
        %get3A_325 = vector.shape_cast %get3A_324 : vector<1x16xf32> to vector<16xf32>
        %mul3A_326 = arith.mulf %get3A_321, %get3A_325 : vector<16xf32>
        %get3A_327 = arith.index_cast %add3A_258 : i32 to index
        %get3A_328 = arith.constant 64 : index
        %get3A_329 = tpu.vector_load %arg13[%get3A_327, %get3A_328] {strides = array<i32>} : memref<128x128xf32, #tpu.memory_space<vmem>>, vector<1x16xf32>,
        %get3A_330 = vector.shape_cast %get3A_329 : vector<1x16xf32> to vector<16xf32>
        %mul3A_331 = arith.mulf %mul3A_326, %get3A_330 : vector<16xf32>
        %add3A_332 = arith.addf %add3A_317, %mul3A_331 : vector<16xf32>
        %get3A_333 = arith.index_cast %add3A_258 : i32 to index
        %get3A_334 = arith.constant 80 : index
        %get3A_335 = tpu.vector_load %arg11[%get3A_333, %get3A_334] {strides = array<i32>} : memref<128x128xf32, #tpu.memory_space<vmem>>, vector<1x16xf32>,
        %get3A_336 = vector.shape_cast %get3A_335 : vector<1x16xf32> to vector<16xf32>
        %get3A_337 = arith.index_cast %add3A_258 : i32 to index
        %get3A_338 = arith.constant 80 : index
        %get3A_339 = tpu.vector_load %arg12[%get3A_337, %get3A_338] {strides = array<i32>} : memref<128x128xf32, #tpu.memory_space<vmem>>, vector<1x16xf32>,
        %get3A_340 = vector.shape_cast %get3A_339 : vector<1x16xf32> to vector<16xf32>
        %mul3A_341 = arith.mulf %get3A_336, %get3A_340 : vector<16xf32>
        %get3A_342 = arith.index_cast %add3A_258 : i32 to index
        %get3A_343 = arith.constant 80 : index
        %get3A_344 = tpu.vector_load %arg13[%get3A_342, %get3A_343] {strides = array<i32>} : memref<128x128xf32, #tpu.memory_space<vmem>>, vector<1x16xf32>,
        %get3A_345 = vector.shape_cast %get3A_344 : vector<1x16xf32> to vector<16xf32>
        %mul3A_346 = arith.mulf %mul3A_341, %get3A_345 : vector<16xf32>
        %add3A_347 = arith.addf %add3A_332, %mul3A_346 : vector<16xf32>
        %get3A_348 = arith.index_cast %add3A_258 : i32 to index
        %get3A_349 = arith.constant 96 : index
        %get3A_350 = tpu.vector_load %arg11[%get3A_348, %get3A_349] {strides = array<i32>} : memref<128x128xf32, #tpu.memory_space<vmem>>, vector<1x16xf32>,
        %get3A_351 = vector.shape_cast %get3A_350 : vector<1x16xf32> to vector<16xf32>
        %get3A_352 = arith.index_cast %add3A_258 : i32 to index
        %get3A_353 = arith.constant 96 : index
        %get3A_354 = tpu.vector_load %arg12[%get3A_352, %get3A_353] {strides = array<i32>} : memref<128x128xf32, #tpu.memory_space<vmem>>, vector<1x16xf32>,
        %get3A_355 = vector.shape_cast %get3A_354 : vector<1x16xf32> to vector<16xf32>
        %mul3A_356 = arith.mulf %get3A_351, %get3A_355 : vector<16xf32>
        %get3A_357 = arith.index_cast %add3A_258 : i32 to index
        %get3A_358 = arith.constant 96 : index
        %get3A_359 = tpu.vector_load %arg13[%get3A_357, %get3A_358] {strides = array<i32>} : memref<128x128xf32, #tpu.memory_space<vmem>>, vector<1x16xf32>,
        %get3A_360 = vector.shape_cast %get3A_359 : vector<1x16xf32> to vector<16xf32>
        %mul3A_361 = arith.mulf %mul3A_356, %get3A_360 : vector<16xf32>
        %add3A_362 = arith.addf %add3A_347, %mul3A_361 : vector<16xf32>
        %get3A_363 = arith.index_cast %add3A_258 : i32 to index
        %get3A_364 = arith.constant 112 : index
        %get3A_365 = tpu.vector_load %arg11[%get3A_363, %get3A_364] {strides = array<i32>} : memref<128x128xf32, #tpu.memory_space<vmem>>, vector<1x16xf32>,
        %get3A_366 = vector.shape_cast %get3A_365 : vector<1x16xf32> to vector<16xf32>
        %get3A_367 = arith.index_cast %add3A_258 : i32 to index
        %get3A_368 = arith.constant 112 : index
        %get3A_369 = tpu.vector_load %arg12[%get3A_367, %get3A_368] {strides = array<i32>} : memref<128x128xf32, #tpu.memory_space<vmem>>, vector<1x16xf32>,
        %get3A_370 = vector.shape_cast %get3A_369 : vector<1x16xf32> to vector<16xf32>
        %mul3A_371 = arith.mulf %get3A_366, %get3A_370 : vector<16xf32>
        %get3A_372 = arith.index_cast %add3A_258 : i32 to index
        %get3A_373 = arith.constant 112 : index
        %get3A_374 = tpu.vector_load %arg13[%get3A_372, %get3A_373] {strides = array<i32>} : memref<128x128xf32, #tpu.memory_space<vmem>>, vector<1x16xf32>,
        %get3A_375 = vector.shape_cast %get3A_374 : vector<1x16xf32> to vector<16xf32>
        %mul3A_376 = arith.mulf %mul3A_371, %get3A_375 : vector<16xf32>
        %add3A_377 = arith.addf %add3A_362, %mul3A_376 : vector<16xf32>
        %swap3A_378 = arith.index_cast %add3A_258 : i32 to index
        %swap3A_379 = arith.constant 0 : index
        %swap3A_380 = tpu.vector_load %arg20[%swap3A_378, %swap3A_379] {strides = array<i32>} : memref<128x16xf32, #tpu.memory_space<vmem>>, vector<1x16xf32>,
        %swap3A_381 = vector.shape_cast %swap3A_380 : vector<1x16xf32> to vector<16xf32>
        %swap3A_382 = vector.shape_cast %add3A_377 : vector<16xf32> to vector<1x16xf32>
        tpu.vector_store %arg20[%swap3A_378, %swap3A_379], %swap3A_382 {strides = array<i32>} : memref<128x16xf32, #tpu.memory_space<vmem>>, vector<1x16xf32>,
        %mul3A_383 = arith.constant 4 : i32
        %mul3A_384 = arith.muli %scan3A_127, %mul3A_383 : i32
        %add3A_385 = arith.constant 2 : i32
        %add3A_386 = arith.addi %mul3A_384, %add3A_385 : i32
        %get3A_387 = arith.index_cast %add3A_386 : i32 to index
        %get3A_388 = arith.constant 0 : index
        %get3A_389 = tpu.vector_load %arg11[%get3A_387, %get3A_388] {strides = array<i32>} : memref<128x128xf32, #tpu.memory_space<vmem>>, vector<1x16xf32>,
        %get3A_390 = vector.shape_cast %get3A_389 : vector<1x16xf32> to vector<16xf32>
        %get3A_391 = arith.index_cast %add3A_386 : i32 to index
        %get3A_392 = arith.constant 0 : index
        %get3A_393 = tpu.vector_load %arg12[%get3A_391, %get3A_392] {strides = array<i32>} : memref<128x128xf32, #tpu.memory_space<vmem>>, vector<1x16xf32>,
        %get3A_394 = vector.shape_cast %get3A_393 : vector<1x16xf32> to vector<16xf32>
        %mul3A_395 = arith.mulf %get3A_390, %get3A_394 : vector<16xf32>
        %get3A_396 = arith.index_cast %add3A_386 : i32 to index
        %get3A_397 = arith.constant 0 : index
        %get3A_398 = tpu.vector_load %arg13[%get3A_396, %get3A_397] {strides = array<i32>} : memref<128x128xf32, #tpu.memory_space<vmem>>, vector<1x16xf32>,
        %get3A_399 = vector.shape_cast %get3A_398 : vector<1x16xf32> to vector<16xf32>
        %mul3A_400 = arith.mulf %mul3A_395, %get3A_399 : vector<16xf32>
        %get3A_401 = arith.index_cast %add3A_386 : i32 to index
        %get3A_402 = arith.constant 16 : index
        %get3A_403 = tpu.vector_load %arg11[%get3A_401, %get3A_402] {strides = array<i32>} : memref<128x128xf32, #tpu.memory_space<vmem>>, vector<1x16xf32>,
        %get3A_404 = vector.shape_cast %get3A_403 : vector<1x16xf32> to vector<16xf32>
        %get3A_405 = arith.index_cast %add3A_386 : i32 to index
        %get3A_406 = arith.constant 16 : index
        %get3A_407 = tpu.vector_load %arg12[%get3A_405, %get3A_406] {strides = array<i32>} : memref<128x128xf32, #tpu.memory_space<vmem>>, vector<1x16xf32>,
        %get3A_408 = vector.shape_cast %get3A_407 : vector<1x16xf32> to vector<16xf32>
        %mul3A_409 = arith.mulf %get3A_404, %get3A_408 : vector<16xf32>
        %get3A_410 = arith.index_cast %add3A_386 : i32 to index
        %get3A_411 = arith.constant 16 : index
        %get3A_412 = tpu.vector_load %arg13[%get3A_410, %get3A_411] {strides = array<i32>} : memref<128x128xf32, #tpu.memory_space<vmem>>, vector<1x16xf32>,
        %get3A_413 = vector.shape_cast %get3A_412 : vector<1x16xf32> to vector<16xf32>
        %mul3A_414 = arith.mulf %mul3A_409, %get3A_413 : vector<16xf32>
        %add3A_415 = arith.addf %mul3A_400, %mul3A_414 : vector<16xf32>
        %get3A_416 = arith.index_cast %add3A_386 : i32 to index
        %get3A_417 = arith.constant 32 : index
        %get3A_418 = tpu.vector_load %arg11[%get3A_416, %get3A_417] {strides = array<i32>} : memref<128x128xf32, #tpu.memory_space<vmem>>, vector<1x16xf32>,
        %get3A_419 = vector.shape_cast %get3A_418 : vector<1x16xf32> to vector<16xf32>
        %get3A_420 = arith.index_cast %add3A_386 : i32 to index
        %get3A_421 = arith.constant 32 : index
        %get3A_422 = tpu.vector_load %arg12[%get3A_420, %get3A_421] {strides = array<i32>} : memref<128x128xf32, #tpu.memory_space<vmem>>, vector<1x16xf32>,
        %get3A_423 = vector.shape_cast %get3A_422 : vector<1x16xf32> to vector<16xf32>
        %mul3A_424 = arith.mulf %get3A_419, %get3A_423 : vector<16xf32>
        %get3A_425 = arith.index_cast %add3A_386 : i32 to index
        %get3A_426 = arith.constant 32 : index
        %get3A_427 = tpu.vector_load %arg13[%get3A_425, %get3A_426] {strides = array<i32>} : memref<128x128xf32, #tpu.memory_space<vmem>>, vector<1x16xf32>,
        %get3A_428 = vector.shape_cast %get3A_427 : vector<1x16xf32> to vector<16xf32>
        %mul3A_429 = arith.mulf %mul3A_424, %get3A_428 : vector<16xf32>
        %add3A_430 = arith.addf %add3A_415, %mul3A_429 : vector<16xf32>
        %get3A_431 = arith.index_cast %add3A_386 : i32 to index
        %get3A_432 = arith.constant 48 : index
        %get3A_433 = tpu.vector_load %arg11[%get3A_431, %get3A_432] {strides = array<i32>} : memref<128x128xf32, #tpu.memory_space<vmem>>, vector<1x16xf32>,
        %get3A_434 = vector.shape_cast %get3A_433 : vector<1x16xf32> to vector<16xf32>
        %get3A_435 = arith.index_cast %add3A_386 : i32 to index
        %get3A_436 = arith.constant 48 : index
        %get3A_437 = tpu.vector_load %arg12[%get3A_435, %get3A_436] {strides = array<i32>} : memref<128x128xf32, #tpu.memory_space<vmem>>, vector<1x16xf32>,
        %get3A_438 = vector.shape_cast %get3A_437 : vector<1x16xf32> to vector<16xf32>
        %mul3A_439 = arith.mulf %get3A_434, %get3A_438 : vector<16xf32>
        %get3A_440 = arith.index_cast %add3A_386 : i32 to index
        %get3A_441 = arith.constant 48 : index
        %get3A_442 = tpu.vector_load %arg13[%get3A_440, %get3A_441] {strides = array<i32>} : memref<128x128xf32, #tpu.memory_space<vmem>>, vector<1x16xf32>,
        %get3A_443 = vector.shape_cast %get3A_442 : vector<1x16xf32> to vector<16xf32>
        %mul3A_444 = arith.mulf %mul3A_439, %get3A_443 : vector<16xf32>
        %add3A_445 = arith.addf %add3A_430, %mul3A_444 : vector<16xf32>
        %get3A_446 = arith.index_cast %add3A_386 : i32 to index
        %get3A_447 = arith.constant 64 : index
        %get3A_448 = tpu.vector_load %arg11[%get3A_446, %get3A_447] {strides = array<i32>} : memref<128x128xf32, #tpu.memory_space<vmem>>, vector<1x16xf32>,
        %get3A_449 = vector.shape_cast %get3A_448 : vector<1x16xf32> to vector<16xf32>
        %get3A_450 = arith.index_cast %add3A_386 : i32 to index
        %get3A_451 = arith.constant 64 : index
        %get3A_452 = tpu.vector_load %arg12[%get3A_450, %get3A_451] {strides = array<i32>} : memref<128x128xf32, #tpu.memory_space<vmem>>, vector<1x16xf32>,
        %get3A_453 = vector.shape_cast %get3A_452 : vector<1x16xf32> to vector<16xf32>
        %mul3A_454 = arith.mulf %get3A_449, %get3A_453 : vector<16xf32>
        %get3A_455 = arith.index_cast %add3A_386 : i32 to index
        %get3A_456 = arith.constant 64 : index
        %get3A_457 = tpu.vector_load %arg13[%get3A_455, %get3A_456] {strides = array<i32>} : memref<128x128xf32, #tpu.memory_space<vmem>>, vector<1x16xf32>,
        %get3A_458 = vector.shape_cast %get3A_457 : vector<1x16xf32> to vector<16xf32>
        %mul3A_459 = arith.mulf %mul3A_454, %get3A_458 : vector<16xf32>
        %add3A_460 = arith.addf %add3A_445, %mul3A_459 : vector<16xf32>
        %get3A_461 = arith.index_cast %add3A_386 : i32 to index
        %get3A_462 = arith.constant 80 : index
        %get3A_463 = tpu.vector_load %arg11[%get3A_461, %get3A_462] {strides = array<i32>} : memref<128x128xf32, #tpu.memory_space<vmem>>, vector<1x16xf32>,
        %get3A_464 = vector.shape_cast %get3A_463 : vector<1x16xf32> to vector<16xf32>
        %get3A_465 = arith.index_cast %add3A_386 : i32 to index
        %get3A_466 = arith.constant 80 : index
        %get3A_467 = tpu.vector_load %arg12[%get3A_465, %get3A_466] {strides = array<i32>} : memref<128x128xf32, #tpu.memory_space<vmem>>, vector<1x16xf32>,
        %get3A_468 = vector.shape_cast %get3A_467 : vector<1x16xf32> to vector<16xf32>
        %mul3A_469 = arith.mulf %get3A_464, %get3A_468 : vector<16xf32>
        %get3A_470 = arith.index_cast %add3A_386 : i32 to index
        %get3A_471 = arith.constant 80 : index
        %get3A_472 = tpu.vector_load %arg13[%get3A_470, %get3A_471] {strides = array<i32>} : memref<128x128xf32, #tpu.memory_space<vmem>>, vector<1x16xf32>,
        %get3A_473 = vector.shape_cast %get3A_472 : vector<1x16xf32> to vector<16xf32>
        %mul3A_474 = arith.mulf %mul3A_469, %get3A_473 : vector<16xf32>
        %add3A_475 = arith.addf %add3A_460, %mul3A_474 : vector<16xf32>
        %get3A_476 = arith.index_cast %add3A_386 : i32 to index
        %get3A_477 = arith.constant 96 : index
        %get3A_478 = tpu.vector_load %arg11[%get3A_476, %get3A_477] {strides = array<i32>} : memref<128x128xf32, #tpu.memory_space<vmem>>, vector<1x16xf32>,
        %get3A_479 = vector.shape_cast %get3A_478 : vector<1x16xf32> to vector<16xf32>
        %get3A_480 = arith.index_cast %add3A_386 : i32 to index
        %get3A_481 = arith.constant 96 : index
        %get3A_482 = tpu.vector_load %arg12[%get3A_480, %get3A_481] {strides = array<i32>} : memref<128x128xf32, #tpu.memory_space<vmem>>, vector<1x16xf32>,
        %get3A_483 = vector.shape_cast %get3A_482 : vector<1x16xf32> to vector<16xf32>
        %mul3A_484 = arith.mulf %get3A_479, %get3A_483 : vector<16xf32>
        %get3A_485 = arith.index_cast %add3A_386 : i32 to index
        %get3A_486 = arith.constant 96 : index
        %get3A_487 = tpu.vector_load %arg13[%get3A_485, %get3A_486] {strides = array<i32>} : memref<128x128xf32, #tpu.memory_space<vmem>>, vector<1x16xf32>,
        %get3A_488 = vector.shape_cast %get3A_487 : vector<1x16xf32> to vector<16xf32>
        %mul3A_489 = arith.mulf %mul3A_484, %get3A_488 : vector<16xf32>
        %add3A_490 = arith.addf %add3A_475, %mul3A_489 : vector<16xf32>
        %get3A_491 = arith.index_cast %add3A_386 : i32 to index
        %get3A_492 = arith.constant 112 : index
        %get3A_493 = tpu.vector_load %arg11[%get3A_491, %get3A_492] {strides = array<i32>} : memref<128x128xf32, #tpu.memory_space<vmem>>, vector<1x16xf32>,
        %get3A_494 = vector.shape_cast %get3A_493 : vector<1x16xf32> to vector<16xf32>
        %get3A_495 = arith.index_cast %add3A_386 : i32 to index
        %get3A_496 = arith.constant 112 : index
        %get3A_497 = tpu.vector_load %arg12[%get3A_495, %get3A_496] {strides = array<i32>} : memref<128x128xf32, #tpu.memory_space<vmem>>, vector<1x16xf32>,
        %get3A_498 = vector.shape_cast %get3A_497 : vector<1x16xf32> to vector<16xf32>
        %mul3A_499 = arith.mulf %get3A_494, %get3A_498 : vector<16xf32>
        %get3A_500 = arith.index_cast %add3A_386 : i32 to index
        %get3A_501 = arith.constant 112 : index
        %get3A_502 = tpu.vector_load %arg13[%get3A_500, %get3A_501] {strides = array<i32>} : memref<128x128xf32, #tpu.memory_space<vmem>>, vector<1x16xf32>,
        %get3A_503 = vector.shape_cast %get3A_502 : vector<1x16xf32> to vector<16xf32>
        %mul3A_504 = arith.mulf %mul3A_499, %get3A_503 : vector<16xf32>
        %add3A_505 = arith.addf %add3A_490, %mul3A_504 : vector<16xf32>
        %swap3A_506 = arith.index_cast %add3A_386 : i32 to index
        %swap3A_507 = arith.constant 0 : index
        %swap3A_508 = tpu.vector_load %arg20[%swap3A_506, %swap3A_507] {strides = array<i32>} : memref<128x16xf32, #tpu.memory_space<vmem>>, vector<1x16xf32>,
        %swap3A_509 = vector.shape_cast %swap3A_508 : vector<1x16xf32> to vector<16xf32>
        %swap3A_510 = vector.shape_cast %add3A_505 : vector<16xf32> to vector<1x16xf32>
        tpu.vector_store %arg20[%swap3A_506, %swap3A_507], %swap3A_510 {strides = array<i32>} : memref<128x16xf32, #tpu.memory_space<vmem>>, vector<1x16xf32>,
        %mul3A_511 = arith.constant 4 : i32
        %mul3A_512 = arith.muli %scan3A_127, %mul3A_511 : i32
        %add3A_513 = arith.constant 3 : i32
        %add3A_514 = arith.addi %mul3A_512, %add3A_513 : i32
        %get3A_515 = arith.index_cast %add3A_514 : i32 to index
        %get3A_516 = arith.constant 0 : index
        %get3A_517 = tpu.vector_load %arg11[%get3A_515, %get3A_516] {strides = array<i32>} : memref<128x128xf32, #tpu.memory_space<vmem>>, vector<1x16xf32>,
        %get3A_518 = vector.shape_cast %get3A_517 : vector<1x16xf32> to vector<16xf32>
        %get3A_519 = arith.index_cast %add3A_514 : i32 to index
        %get3A_520 = arith.constant 0 : index
        %get3A_521 = tpu.vector_load %arg12[%get3A_519, %get3A_520] {strides = array<i32>} : memref<128x128xf32, #tpu.memory_space<vmem>>, vector<1x16xf32>,
        %get3A_522 = vector.shape_cast %get3A_521 : vector<1x16xf32> to vector<16xf32>
        %mul3A_523 = arith.mulf %get3A_518, %get3A_522 : vector<16xf32>
        %get3A_524 = arith.index_cast %add3A_514 : i32 to index
        %get3A_525 = arith.constant 0 : index
        %get3A_526 = tpu.vector_load %arg13[%get3A_524, %get3A_525] {strides = array<i32>} : memref<128x128xf32, #tpu.memory_space<vmem>>, vector<1x16xf32>,
        %get3A_527 = vector.shape_cast %get3A_526 : vector<1x16xf32> to vector<16xf32>
        %mul3A_528 = arith.mulf %mul3A_523, %get3A_527 : vector<16xf32>
        %get3A_529 = arith.index_cast %add3A_514 : i32 to index
        %get3A_530 = arith.constant 16 : index
        %get3A_531 = tpu.vector_load %arg11[%get3A_529, %get3A_530] {strides = array<i32>} : memref<128x128xf32, #tpu.memory_space<vmem>>, vector<1x16xf32>,
        %get3A_532 = vector.shape_cast %get3A_531 : vector<1x16xf32> to vector<16xf32>
        %get3A_533 = arith.index_cast %add3A_514 : i32 to index
        %get3A_534 = arith.constant 16 : index
        %get3A_535 = tpu.vector_load %arg12[%get3A_533, %get3A_534] {strides = array<i32>} : memref<128x128xf32, #tpu.memory_space<vmem>>, vector<1x16xf32>,
        %get3A_536 = vector.shape_cast %get3A_535 : vector<1x16xf32> to vector<16xf32>
        %mul3A_537 = arith.mulf %get3A_532, %get3A_536 : vector<16xf32>
        %get3A_538 = arith.index_cast %add3A_514 : i32 to index
        %get3A_539 = arith.constant 16 : index
        %get3A_540 = tpu.vector_load %arg13[%get3A_538, %get3A_539] {strides = array<i32>} : memref<128x128xf32, #tpu.memory_space<vmem>>, vector<1x16xf32>,
        %get3A_541 = vector.shape_cast %get3A_540 : vector<1x16xf32> to vector<16xf32>
        %mul3A_542 = arith.mulf %mul3A_537, %get3A_541 : vector<16xf32>
        %add3A_543 = arith.addf %mul3A_528, %mul3A_542 : vector<16xf32>
        %get3A_544 = arith.index_cast %add3A_514 : i32 to index
        %get3A_545 = arith.constant 32 : index
        %get3A_546 = tpu.vector_load %arg11[%get3A_544, %get3A_545] {strides = array<i32>} : memref<128x128xf32, #tpu.memory_space<vmem>>, vector<1x16xf32>,
        %get3A_547 = vector.shape_cast %get3A_546 : vector<1x16xf32> to vector<16xf32>
        %get3A_548 = arith.index_cast %add3A_514 : i32 to index
        %get3A_549 = arith.constant 32 : index
        %get3A_550 = tpu.vector_load %arg12[%get3A_548, %get3A_549] {strides = array<i32>} : memref<128x128xf32, #tpu.memory_space<vmem>>, vector<1x16xf32>,
        %get3A_551 = vector.shape_cast %get3A_550 : vector<1x16xf32> to vector<16xf32>
        %mul3A_552 = arith.mulf %get3A_547, %get3A_551 : vector<16xf32>
        %get3A_553 = arith.index_cast %add3A_514 : i32 to index
        %get3A_554 = arith.constant 32 : index
        %get3A_555 = tpu.vector_load %arg13[%get3A_553, %get3A_554] {strides = array<i32>} : memref<128x128xf32, #tpu.memory_space<vmem>>, vector<1x16xf32>,
        %get3A_556 = vector.shape_cast %get3A_555 : vector<1x16xf32> to vector<16xf32>
        %mul3A_557 = arith.mulf %mul3A_552, %get3A_556 : vector<16xf32>
        %add3A_558 = arith.addf %add3A_543, %mul3A_557 : vector<16xf32>
        %get3A_559 = arith.index_cast %add3A_514 : i32 to index
        %get3A_560 = arith.constant 48 : index
        %get3A_561 = tpu.vector_load %arg11[%get3A_559, %get3A_560] {strides = array<i32>} : memref<128x128xf32, #tpu.memory_space<vmem>>, vector<1x16xf32>,
        %get3A_562 = vector.shape_cast %get3A_561 : vector<1x16xf32> to vector<16xf32>
        %get3A_563 = arith.index_cast %add3A_514 : i32 to index
        %get3A_564 = arith.constant 48 : index
        %get3A_565 = tpu.vector_load %arg12[%get3A_563, %get3A_564] {strides = array<i32>} : memref<128x128xf32, #tpu.memory_space<vmem>>, vector<1x16xf32>,
        %get3A_566 = vector.shape_cast %get3A_565 : vector<1x16xf32> to vector<16xf32>
        %mul3A_567 = arith.mulf %get3A_562, %get3A_566 : vector<16xf32>
        %get3A_568 = arith.index_cast %add3A_514 : i32 to index
        %get3A_569 = arith.constant 48 : index
        %get3A_570 = tpu.vector_load %arg13[%get3A_568, %get3A_569] {strides = array<i32>} : memref<128x128xf32, #tpu.memory_space<vmem>>, vector<1x16xf32>,
        %get3A_571 = vector.shape_cast %get3A_570 : vector<1x16xf32> to vector<16xf32>
        %mul3A_572 = arith.mulf %mul3A_567, %get3A_571 : vector<16xf32>
        %add3A_573 = arith.addf %add3A_558, %mul3A_572 : vector<16xf32>
        %get3A_574 = arith.index_cast %add3A_514 : i32 to index
        %get3A_575 = arith.constant 64 : index
        %get3A_576 = tpu.vector_load %arg11[%get3A_574, %get3A_575] {strides = array<i32>} : memref<128x128xf32, #tpu.memory_space<vmem>>, vector<1x16xf32>,
        %get3A_577 = vector.shape_cast %get3A_576 : vector<1x16xf32> to vector<16xf32>
        %get3A_578 = arith.index_cast %add3A_514 : i32 to index
        %get3A_579 = arith.constant 64 : index
        %get3A_580 = tpu.vector_load %arg12[%get3A_578, %get3A_579] {strides = array<i32>} : memref<128x128xf32, #tpu.memory_space<vmem>>, vector<1x16xf32>,
        %get3A_581 = vector.shape_cast %get3A_580 : vector<1x16xf32> to vector<16xf32>
        %mul3A_582 = arith.mulf %get3A_577, %get3A_581 : vector<16xf32>
        %get3A_583 = arith.index_cast %add3A_514 : i32 to index
        %get3A_584 = arith.constant 64 : index
        %get3A_585 = tpu.vector_load %arg13[%get3A_583, %get3A_584] {strides = array<i32>} : memref<128x128xf32, #tpu.memory_space<vmem>>, vector<1x16xf32>,
        %get3A_586 = vector.shape_cast %get3A_585 : vector<1x16xf32> to vector<16xf32>
        %mul3A_587 = arith.mulf %mul3A_582, %get3A_586 : vector<16xf32>
        %add3A_588 = arith.addf %add3A_573, %mul3A_587 : vector<16xf32>
        %get3A_589 = arith.index_cast %add3A_514 : i32 to index
        %get3A_590 = arith.constant 80 : index
        %get3A_591 = tpu.vector_load %arg11[%get3A_589, %get3A_590] {strides = array<i32>} : memref<128x128xf32, #tpu.memory_space<vmem>>, vector<1x16xf32>,
        %get3A_592 = vector.shape_cast %get3A_591 : vector<1x16xf32> to vector<16xf32>
        %get3A_593 = arith.index_cast %add3A_514 : i32 to index
        %get3A_594 = arith.constant 80 : index
        %get3A_595 = tpu.vector_load %arg12[%get3A_593, %get3A_594] {strides = array<i32>} : memref<128x128xf32, #tpu.memory_space<vmem>>, vector<1x16xf32>,
        %get3A_596 = vector.shape_cast %get3A_595 : vector<1x16xf32> to vector<16xf32>
        %mul3A_597 = arith.mulf %get3A_592, %get3A_596 : vector<16xf32>
        %get3A_598 = arith.index_cast %add3A_514 : i32 to index
        %get3A_599 = arith.constant 80 : index
        %get3A_600 = tpu.vector_load %arg13[%get3A_598, %get3A_599] {strides = array<i32>} : memref<128x128xf32, #tpu.memory_space<vmem>>, vector<1x16xf32>,
        %get3A_601 = vector.shape_cast %get3A_600 : vector<1x16xf32> to vector<16xf32>
        %mul3A_602 = arith.mulf %mul3A_597, %get3A_601 : vector<16xf32>
        %add3A_603 = arith.addf %add3A_588, %mul3A_602 : vector<16xf32>
        %get3A_604 = arith.index_cast %add3A_514 : i32 to index
        %get3A_605 = arith.constant 96 : index
        %get3A_606 = tpu.vector_load %arg11[%get3A_604, %get3A_605] {strides = array<i32>} : memref<128x128xf32, #tpu.memory_space<vmem>>, vector<1x16xf32>,
        %get3A_607 = vector.shape_cast %get3A_606 : vector<1x16xf32> to vector<16xf32>
        %get3A_608 = arith.index_cast %add3A_514 : i32 to index
        %get3A_609 = arith.constant 96 : index
        %get3A_610 = tpu.vector_load %arg12[%get3A_608, %get3A_609] {strides = array<i32>} : memref<128x128xf32, #tpu.memory_space<vmem>>, vector<1x16xf32>,
        %get3A_611 = vector.shape_cast %get3A_610 : vector<1x16xf32> to vector<16xf32>
        %mul3A_612 = arith.mulf %get3A_607, %get3A_611 : vector<16xf32>
        %get3A_613 = arith.index_cast %add3A_514 : i32 to index
        %get3A_614 = arith.constant 96 : index
        %get3A_615 = tpu.vector_load %arg13[%get3A_613, %get3A_614] {strides = array<i32>} : memref<128x128xf32, #tpu.memory_space<vmem>>, vector<1x16xf32>,
        %get3A_616 = vector.shape_cast %get3A_615 : vector<1x16xf32> to vector<16xf32>
        %mul3A_617 = arith.mulf %mul3A_612, %get3A_616 : vector<16xf32>
        %add3A_618 = arith.addf %add3A_603, %mul3A_617 : vector<16xf32>
        %get3A_619 = arith.index_cast %add3A_514 : i32 to index
        %get3A_620 = arith.constant 112 : index
        %get3A_621 = tpu.vector_load %arg11[%get3A_619, %get3A_620] {strides = array<i32>} : memref<128x128xf32, #tpu.memory_space<vmem>>, vector<1x16xf32>,
        %get3A_622 = vector.shape_cast %get3A_621 : vector<1x16xf32> to vector<16xf32>
        %get3A_623 = arith.index_cast %add3A_514 : i32 to index
        %get3A_624 = arith.constant 112 : index
        %get3A_625 = tpu.vector_load %arg12[%get3A_623, %get3A_624] {strides = array<i32>} : memref<128x128xf32, #tpu.memory_space<vmem>>, vector<1x16xf32>,
        %get3A_626 = vector.shape_cast %get3A_625 : vector<1x16xf32> to vector<16xf32>
        %mul3A_627 = arith.mulf %get3A_622, %get3A_626 : vector<16xf32>
        %get3A_628 = arith.index_cast %add3A_514 : i32 to index
        %get3A_629 = arith.constant 112 : index
        %get3A_630 = tpu.vector_load %arg13[%get3A_628, %get3A_629] {strides = array<i32>} : memref<128x128xf32, #tpu.memory_space<vmem>>, vector<1x16xf32>,
        %get3A_631 = vector.shape_cast %get3A_630 : vector<1x16xf32> to vector<16xf32>
        %mul3A_632 = arith.mulf %mul3A_627, %get3A_631 : vector<16xf32>
        %add3A_633 = arith.addf %add3A_618, %mul3A_632 : vector<16xf32>
        %swap3A_634 = arith.index_cast %add3A_514 : i32 to index
        %swap3A_635 = arith.constant 0 : index
        %swap3A_636 = tpu.vector_load %arg20[%swap3A_634, %swap3A_635] {strides = array<i32>} : memref<128x16xf32, #tpu.memory_space<vmem>>, vector<1x16xf32>,
        %swap3A_637 = vector.shape_cast %swap3A_636 : vector<1x16xf32> to vector<16xf32>
        %swap3A_638 = vector.shape_cast %add3A_633 : vector<16xf32> to vector<1x16xf32>
        tpu.vector_store %arg20[%swap3A_634, %swap3A_635], %swap3A_638 {strides = array<i32>} : memref<128x16xf32, #tpu.memory_space<vmem>>, vector<1x16xf32>,
        %scan3A_639 = arith.constant 0 : i32
        scf.yield %scan3A_639 : i32
      }
      %scan3A_83 = arith.constant 32 : i32
      "tpu.region"() ({
        %run_scoped3A = tpu.sem_alloc : memref<!tpu.dma_semaphore, #tpu.memory_space<semaphore_mem>>
        %dma_start3A_127 = arith.constant 0 : i32
        %dma_start3A_128 = tpu.memref_slice %arg7[%add3A_76, %dma_start3A_127] : memref<327680x16xf32, #tpu.memory_space<hbm>> -> memref<128x16xf32, #tpu.memory_space<hbm>>
        %dma_start3A_129 = arith.constant 0 : i32
        %dma_start3A_130 = tpu.memref_slice %arg7[%add3A_76, %dma_start3A_129] : memref<327680x16xf32, #tpu.memory_space<hbm>> -> memref<128x16xf32, #tpu.memory_space<hbm>>
        tpu.enqueue_dma source(%arg20 : memref<128x16xf32, #tpu.memory_space<vmem>>) target(%dma_start3A_130 : memref<128x16xf32, #tpu.memory_space<hbm>>) target_semaphore(%run_scoped3A : memref<!tpu.dma_semaphore, #tpu.memory_space<semaphore_mem>>)
        %dma_wait3A_131 = arith.constant 0 : i32
        %dma_wait3A_132 = tpu.memref_slice %arg7[%add3A_76, %dma_wait3A_131] : memref<327680x16xf32, #tpu.memory_space<hbm>> -> memref<128x16xf32, #tpu.memory_space<hbm>>
        %dma_wait3A_133 = arith.constant 0 : i32
        %dma_wait3A_134 = tpu.memref_slice %arg7[%add3A_76, %dma_wait3A_133] : memref<327680x16xf32, #tpu.memory_space<hbm>> -> memref<128x16xf32, #tpu.memory_space<hbm>>
        tpu.wait_dma2 semaphore(%run_scoped3A : memref<!tpu.dma_semaphore, #tpu.memory_space<semaphore_mem>>) src(%arg20 : memref<128x16xf32, #tpu.memory_space<vmem>>) dst(%dma_wait3A_134 : memref<128x16xf32, #tpu.memory_space<hbm>>)
        tpu.yield
      }) : () -> ()
      %add3A_84 = arith.constant 2 : i32
      %add3A_85 = arith.addi %mul3A_60, %add3A_84 : i32
      %lt3A_86 = arith.constant 80 : i32
      %lt3A_87 = arith.cmpi slt, %add3A_85, %lt3A_86 : i32
      %convert_element_type3A_88 = arith.extui %lt3A_87 : i1 to i32
      %cond3A_89 = arith.constant 0 : i32
      %cond3A_90 = arith.cmpi ne, %convert_element_type3A_88, %cond3A_89 : i32
      scf.if %cond3A_90 {
        %add3A_127 = arith.constant 2 : i32
        %add3A_128 = arith.addi %mul3A_60, %add3A_127 : i32
        %mul3A_129 = arith.constant 128 : i32
        %mul3A_130 = arith.muli %add3A_128, %mul3A_129 : i32
        %add3A_131 = arith.addi %mul3A_2, %mul3A_130 : i32
        %dma_wait3A_132 = tpu.memref_slice %arg3[%add3A_131] : memref<327680xi32, #tpu.memory_space<hbm>> -> memref<128xi32, #tpu.memory_space<hbm>>
        %dma_wait3A_133 = tpu.memref_slice %arg3[%add3A_131] : memref<327680xi32, #tpu.memory_space<hbm>> -> memref<128xi32, #tpu.memory_space<hbm>>
        tpu.wait_dma2 semaphore(%arg23 : memref<!tpu.dma_semaphore, #tpu.memory_space<semaphore_mem>>) src(%dma_wait3A_133 : memref<128xi32, #tpu.memory_space<hbm>>) dst(%arg8 : memref<128xi32, #tpu.memory_space<vmem>>)
        %dma_wait3A_134 = tpu.memref_slice %arg4[%add3A_131] : memref<327680xi32, #tpu.memory_space<hbm>> -> memref<128xi32, #tpu.memory_space<hbm>>
        %dma_wait3A_135 = tpu.memref_slice %arg4[%add3A_131] : memref<327680xi32, #tpu.memory_space<hbm>> -> memref<128xi32, #tpu.memory_space<hbm>>
        tpu.wait_dma2 semaphore(%arg23 : memref<!tpu.dma_semaphore, #tpu.memory_space<semaphore_mem>>) src(%dma_wait3A_135 : memref<128xi32, #tpu.memory_space<hbm>>) dst(%arg9 : memref<128xi32, #tpu.memory_space<vmem>>)
        %dma_wait3A_136 = tpu.memref_slice %arg5[%add3A_131] : memref<327680xi32, #tpu.memory_space<hbm>> -> memref<128xi32, #tpu.memory_space<hbm>>
        %dma_wait3A_137 = tpu.memref_slice %arg5[%add3A_131] : memref<327680xi32, #tpu.memory_space<hbm>> -> memref<128xi32, #tpu.memory_space<hbm>>
        tpu.wait_dma2 semaphore(%arg23 : memref<!tpu.dma_semaphore, #tpu.memory_space<semaphore_mem>>) src(%dma_wait3A_137 : memref<128xi32, #tpu.memory_space<hbm>>) dst(%arg10 : memref<128xi32, #tpu.memory_space<vmem>>)
        %dma_start3A_138 = arith.constant 0 : i32
        %dma_start3A_139 = arith.constant 0 : i32
        %dma_start3A_140 = tpu.memref_slice %arg2[%dma_start3A_138, %dma_start3A_139] : memref<10000x128xf32, #tpu.memory_space<hbm>> -> memref<10000x128xf32, #tpu.memory_space<hbm>>
        tpu.enqueue_indirect_dma source(%dma_start3A_140 : memref<10000x128xf32, #tpu.memory_space<hbm>>) target(%arg11 : memref<128x128xf32, #tpu.memory_space<vmem>>) offsets(%arg8 : memref<128xi32, #tpu.memory_space<vmem>>) semaphore(%arg21 : memref<!tpu.dma_semaphore, #tpu.memory_space<semaphore_mem>>)
        %dma_start3A_141 = arith.constant 0 : i32
        %dma_start3A_142 = arith.constant 0 : i32
        %dma_start3A_143 = tpu.memref_slice %arg2[%dma_start3A_141, %dma_start3A_142] : memref<10000x128xf32, #tpu.memory_space<hbm>> -> memref<10000x128xf32, #tpu.memory_space<hbm>>
        tpu.enqueue_indirect_dma source(%dma_start3A_143 : memref<10000x128xf32, #tpu.memory_space<hbm>>) target(%arg12 : memref<128x128xf32, #tpu.memory_space<vmem>>) offsets(%arg9 : memref<128xi32, #tpu.memory_space<vmem>>) semaphore(%arg21 : memref<!tpu.dma_semaphore, #tpu.memory_space<semaphore_mem>>)
        %dma_start3A_144 = arith.constant 0 : i32
        %dma_start3A_145 = arith.constant 0 : i32
        %dma_start3A_146 = tpu.memref_slice %arg6[%dma_start3A_144, %dma_start3A_145] : memref<200x128xf32, #tpu.memory_space<hbm>> -> memref<200x128xf32, #tpu.memory_space<hbm>>
        tpu.enqueue_indirect_dma source(%dma_start3A_146 : memref<200x128xf32, #tpu.memory_space<hbm>>) target(%arg13 : memref<128x128xf32, #tpu.memory_space<vmem>>) offsets(%arg10 : memref<128xi32, #tpu.memory_space<vmem>>) semaphore(%arg21 : memref<!tpu.dma_semaphore, #tpu.memory_space<semaphore_mem>>)
      } else {
      }
      %dma_wait3A_91 = arith.constant 0 : i32
      %dma_wait3A_92 = arith.constant 0 : i32
      %dma_wait3A_93 = tpu.memref_slice %arg2[%dma_wait3A_91, %dma_wait3A_92] : memref<10000x128xf32, #tpu.memory_space<hbm>> -> memref<10000x128xf32, #tpu.memory_space<hbm>>
      tpu.wait_indirect_dma semaphore(%arg22 : memref<!tpu.dma_semaphore, #tpu.memory_space<semaphore_mem>>) src(%dma_wait3A_93 : memref<10000x128xf32, #tpu.memory_space<hbm>>) dst(%arg17 : memref<128x128xf32, #tpu.memory_space<vmem>>)
      %dma_wait3A_94 = arith.constant 0 : i32
      %dma_wait3A_95 = arith.constant 0 : i32
      %dma_wait3A_96 = tpu.memref_slice %arg2[%dma_wait3A_94, %dma_wait3A_95] : memref<10000x128xf32, #tpu.memory_space<hbm>> -> memref<10000x128xf32, #tpu.memory_space<hbm>>
      tpu.wait_indirect_dma semaphore(%arg22 : memref<!tpu.dma_semaphore, #tpu.memory_space<semaphore_mem>>) src(%dma_wait3A_96 : memref<10000x128xf32, #tpu.memory_space<hbm>>) dst(%arg18 : memref<128x128xf32, #tpu.memory_space<vmem>>)
      %dma_wait3A_97 = arith.constant 0 : i32
      %dma_wait3A_98 = arith.constant 0 : i32
      %dma_wait3A_99 = tpu.memref_slice %arg6[%dma_wait3A_97, %dma_wait3A_98] : memref<200x128xf32, #tpu.memory_space<hbm>> -> memref<200x128xf32, #tpu.memory_space<hbm>>
      tpu.wait_indirect_dma semaphore(%arg22 : memref<!tpu.dma_semaphore, #tpu.memory_space<semaphore_mem>>) src(%dma_wait3A_99 : memref<200x128xf32, #tpu.memory_space<hbm>>) dst(%arg19 : memref<128x128xf32, #tpu.memory_space<vmem>>)
      %add3A_100 = arith.constant 3 : i32
      %add3A_101 = arith.addi %mul3A_60, %add3A_100 : i32
      %lt3A_102 = arith.constant 80 : i32
      %lt3A_103 = arith.cmpi slt, %add3A_101, %lt3A_102 : i32
      %convert_element_type3A_104 = arith.extui %lt3A_103 : i1 to i32
      %cond3A_105 = arith.constant 0 : i32
      %cond3A_106 = arith.cmpi ne, %convert_element_type3A_104, %cond3A_105 : i32
      scf.if %cond3A_106 {
        %add3A_127 = arith.constant 3 : i32
        %add3A_128 = arith.addi %mul3A_60, %add3A_127 : i32
        %mul3A_129 = arith.constant 128 : i32
        %mul3A_130 = arith.muli %add3A_128, %mul3A_129 : i32
        %add3A_131 = arith.addi %mul3A_2, %mul3A_130 : i32
        %dma_start3A_132 = tpu.memref_slice %arg3[%add3A_131] : memref<327680xi32, #tpu.memory_space<hbm>> -> memref<128xi32, #tpu.memory_space<hbm>>
        %dma_start3A_133 = tpu.memref_slice %arg3[%add3A_131] : memref<327680xi32, #tpu.memory_space<hbm>> -> memref<128xi32, #tpu.memory_space<hbm>>
        tpu.enqueue_dma source(%dma_start3A_133 : memref<128xi32, #tpu.memory_space<hbm>>) target(%arg14 : memref<128xi32, #tpu.memory_space<vmem>>) target_semaphore(%arg24 : memref<!tpu.dma_semaphore, #tpu.memory_space<semaphore_mem>>)
        %dma_start3A_134 = tpu.memref_slice %arg4[%add3A_131] : memref<327680xi32, #tpu.memory_space<hbm>> -> memref<128xi32, #tpu.memory_space<hbm>>
        %dma_start3A_135 = tpu.memref_slice %arg4[%add3A_131] : memref<327680xi32, #tpu.memory_space<hbm>> -> memref<128xi32, #tpu.memory_space<hbm>>
        tpu.enqueue_dma source(%dma_start3A_135 : memref<128xi32, #tpu.memory_space<hbm>>) target(%arg15 : memref<128xi32, #tpu.memory_space<vmem>>) target_semaphore(%arg24 : memref<!tpu.dma_semaphore, #tpu.memory_space<semaphore_mem>>)
        %dma_start3A_136 = tpu.memref_slice %arg5[%add3A_131] : memref<327680xi32, #tpu.memory_space<hbm>> -> memref<128xi32, #tpu.memory_space<hbm>>
        %dma_start3A_137 = tpu.memref_slice %arg5[%add3A_131] : memref<327680xi32, #tpu.memory_space<hbm>> -> memref<128xi32, #tpu.memory_space<hbm>>
        tpu.enqueue_dma source(%dma_start3A_137 : memref<128xi32, #tpu.memory_space<hbm>>) target(%arg16 : memref<128xi32, #tpu.memory_space<vmem>>) target_semaphore(%arg24 : memref<!tpu.dma_semaphore, #tpu.memory_space<semaphore_mem>>)
      } else {
      }
      %add3A_107 = arith.constant 1 : i32
      %add3A_108 = arith.addi %mul3A_60, %add3A_107 : i32
      %mul3A_109 = arith.constant 128 : i32
      %mul3A_110 = arith.muli %add3A_108, %mul3A_109 : i32
      %add3A_111 = arith.addi %mul3A_2, %mul3A_110 : i32
      %scan3A_112 = arith.constant 0 : i32
      %scan3A_113 = arith.constant 0 : i32
      %scan3A_114 = arith.constant 32 : i32
      %scan3A_115 = arith.addi %scan3A_113, %scan3A_114 : i32
      %scan3A_116 = arith.constant 1 : i32
      %scan3A_117 = scf.for %scan3A_127 = %scan3A_113 to %scan3A_115 step %scan3A_116 iter_args(%scan3A_128 = %scan3A_112) -> (i32)  : i32 {
        %mul3A_129 = arith.constant 4 : i32
        %mul3A_130 = arith.muli %scan3A_127, %mul3A_129 : i32
        %add3A_131 = arith.constant 0 : i32
        %add3A_132 = arith.addi %mul3A_130, %add3A_131 : i32
        %get3A = arith.index_cast %add3A_132 : i32 to index
        %get3A_133 = arith.constant 0 : index
        %get3A_134 = tpu.vector_load %arg17[%get3A, %get3A_133] {strides = array<i32>} : memref<128x128xf32, #tpu.memory_space<vmem>>, vector<1x16xf32>,
        %get3A_135 = vector.shape_cast %get3A_134 : vector<1x16xf32> to vector<16xf32>
        %get3A_136 = arith.index_cast %add3A_132 : i32 to index
        %get3A_137 = arith.constant 0 : index
        %get3A_138 = tpu.vector_load %arg18[%get3A_136, %get3A_137] {strides = array<i32>} : memref<128x128xf32, #tpu.memory_space<vmem>>, vector<1x16xf32>,
        %get3A_139 = vector.shape_cast %get3A_138 : vector<1x16xf32> to vector<16xf32>
        %mul3A_140 = arith.mulf %get3A_135, %get3A_139 : vector<16xf32>
        %get3A_141 = arith.index_cast %add3A_132 : i32 to index
        %get3A_142 = arith.constant 0 : index
        %get3A_143 = tpu.vector_load %arg19[%get3A_141, %get3A_142] {strides = array<i32>} : memref<128x128xf32, #tpu.memory_space<vmem>>, vector<1x16xf32>,
        %get3A_144 = vector.shape_cast %get3A_143 : vector<1x16xf32> to vector<16xf32>
        %mul3A_145 = arith.mulf %mul3A_140, %get3A_144 : vector<16xf32>
        %get3A_146 = arith.index_cast %add3A_132 : i32 to index
        %get3A_147 = arith.constant 16 : index
        %get3A_148 = tpu.vector_load %arg17[%get3A_146, %get3A_147] {strides = array<i32>} : memref<128x128xf32, #tpu.memory_space<vmem>>, vector<1x16xf32>,
        %get3A_149 = vector.shape_cast %get3A_148 : vector<1x16xf32> to vector<16xf32>
        %get3A_150 = arith.index_cast %add3A_132 : i32 to index
        %get3A_151 = arith.constant 16 : index
        %get3A_152 = tpu.vector_load %arg18[%get3A_150, %get3A_151] {strides = array<i32>} : memref<128x128xf32, #tpu.memory_space<vmem>>, vector<1x16xf32>,
        %get3A_153 = vector.shape_cast %get3A_152 : vector<1x16xf32> to vector<16xf32>
        %mul3A_154 = arith.mulf %get3A_149, %get3A_153 : vector<16xf32>
        %get3A_155 = arith.index_cast %add3A_132 : i32 to index
        %get3A_156 = arith.constant 16 : index
        %get3A_157 = tpu.vector_load %arg19[%get3A_155, %get3A_156] {strides = array<i32>} : memref<128x128xf32, #tpu.memory_space<vmem>>, vector<1x16xf32>,
        %get3A_158 = vector.shape_cast %get3A_157 : vector<1x16xf32> to vector<16xf32>
        %mul3A_159 = arith.mulf %mul3A_154, %get3A_158 : vector<16xf32>
        %add3A_160 = arith.addf %mul3A_145, %mul3A_159 : vector<16xf32>
        %get3A_161 = arith.index_cast %add3A_132 : i32 to index
        %get3A_162 = arith.constant 32 : index
        %get3A_163 = tpu.vector_load %arg17[%get3A_161, %get3A_162] {strides = array<i32>} : memref<128x128xf32, #tpu.memory_space<vmem>>, vector<1x16xf32>,
        %get3A_164 = vector.shape_cast %get3A_163 : vector<1x16xf32> to vector<16xf32>
        %get3A_165 = arith.index_cast %add3A_132 : i32 to index
        %get3A_166 = arith.constant 32 : index
        %get3A_167 = tpu.vector_load %arg18[%get3A_165, %get3A_166] {strides = array<i32>} : memref<128x128xf32, #tpu.memory_space<vmem>>, vector<1x16xf32>,
        %get3A_168 = vector.shape_cast %get3A_167 : vector<1x16xf32> to vector<16xf32>
        %mul3A_169 = arith.mulf %get3A_164, %get3A_168 : vector<16xf32>
        %get3A_170 = arith.index_cast %add3A_132 : i32 to index
        %get3A_171 = arith.constant 32 : index
        %get3A_172 = tpu.vector_load %arg19[%get3A_170, %get3A_171] {strides = array<i32>} : memref<128x128xf32, #tpu.memory_space<vmem>>, vector<1x16xf32>,
        %get3A_173 = vector.shape_cast %get3A_172 : vector<1x16xf32> to vector<16xf32>
        %mul3A_174 = arith.mulf %mul3A_169, %get3A_173 : vector<16xf32>
        %add3A_175 = arith.addf %add3A_160, %mul3A_174 : vector<16xf32>
        %get3A_176 = arith.index_cast %add3A_132 : i32 to index
        %get3A_177 = arith.constant 48 : index
        %get3A_178 = tpu.vector_load %arg17[%get3A_176, %get3A_177] {strides = array<i32>} : memref<128x128xf32, #tpu.memory_space<vmem>>, vector<1x16xf32>,
        %get3A_179 = vector.shape_cast %get3A_178 : vector<1x16xf32> to vector<16xf32>
        %get3A_180 = arith.index_cast %add3A_132 : i32 to index
        %get3A_181 = arith.constant 48 : index
        %get3A_182 = tpu.vector_load %arg18[%get3A_180, %get3A_181] {strides = array<i32>} : memref<128x128xf32, #tpu.memory_space<vmem>>, vector<1x16xf32>,
        %get3A_183 = vector.shape_cast %get3A_182 : vector<1x16xf32> to vector<16xf32>
        %mul3A_184 = arith.mulf %get3A_179, %get3A_183 : vector<16xf32>
        %get3A_185 = arith.index_cast %add3A_132 : i32 to index
        %get3A_186 = arith.constant 48 : index
        %get3A_187 = tpu.vector_load %arg19[%get3A_185, %get3A_186] {strides = array<i32>} : memref<128x128xf32, #tpu.memory_space<vmem>>, vector<1x16xf32>,
        %get3A_188 = vector.shape_cast %get3A_187 : vector<1x16xf32> to vector<16xf32>
        %mul3A_189 = arith.mulf %mul3A_184, %get3A_188 : vector<16xf32>
        %add3A_190 = arith.addf %add3A_175, %mul3A_189 : vector<16xf32>
        %get3A_191 = arith.index_cast %add3A_132 : i32 to index
        %get3A_192 = arith.constant 64 : index
        %get3A_193 = tpu.vector_load %arg17[%get3A_191, %get3A_192] {strides = array<i32>} : memref<128x128xf32, #tpu.memory_space<vmem>>, vector<1x16xf32>,
        %get3A_194 = vector.shape_cast %get3A_193 : vector<1x16xf32> to vector<16xf32>
        %get3A_195 = arith.index_cast %add3A_132 : i32 to index
        %get3A_196 = arith.constant 64 : index
        %get3A_197 = tpu.vector_load %arg18[%get3A_195, %get3A_196] {strides = array<i32>} : memref<128x128xf32, #tpu.memory_space<vmem>>, vector<1x16xf32>,
        %get3A_198 = vector.shape_cast %get3A_197 : vector<1x16xf32> to vector<16xf32>
        %mul3A_199 = arith.mulf %get3A_194, %get3A_198 : vector<16xf32>
        %get3A_200 = arith.index_cast %add3A_132 : i32 to index
        %get3A_201 = arith.constant 64 : index
        %get3A_202 = tpu.vector_load %arg19[%get3A_200, %get3A_201] {strides = array<i32>} : memref<128x128xf32, #tpu.memory_space<vmem>>, vector<1x16xf32>,
        %get3A_203 = vector.shape_cast %get3A_202 : vector<1x16xf32> to vector<16xf32>
        %mul3A_204 = arith.mulf %mul3A_199, %get3A_203 : vector<16xf32>
        %add3A_205 = arith.addf %add3A_190, %mul3A_204 : vector<16xf32>
        %get3A_206 = arith.index_cast %add3A_132 : i32 to index
        %get3A_207 = arith.constant 80 : index
        %get3A_208 = tpu.vector_load %arg17[%get3A_206, %get3A_207] {strides = array<i32>} : memref<128x128xf32, #tpu.memory_space<vmem>>, vector<1x16xf32>,
        %get3A_209 = vector.shape_cast %get3A_208 : vector<1x16xf32> to vector<16xf32>
        %get3A_210 = arith.index_cast %add3A_132 : i32 to index
        %get3A_211 = arith.constant 80 : index
        %get3A_212 = tpu.vector_load %arg18[%get3A_210, %get3A_211] {strides = array<i32>} : memref<128x128xf32, #tpu.memory_space<vmem>>, vector<1x16xf32>,
        %get3A_213 = vector.shape_cast %get3A_212 : vector<1x16xf32> to vector<16xf32>
        %mul3A_214 = arith.mulf %get3A_209, %get3A_213 : vector<16xf32>
        %get3A_215 = arith.index_cast %add3A_132 : i32 to index
        %get3A_216 = arith.constant 80 : index
        %get3A_217 = tpu.vector_load %arg19[%get3A_215, %get3A_216] {strides = array<i32>} : memref<128x128xf32, #tpu.memory_space<vmem>>, vector<1x16xf32>,
        %get3A_218 = vector.shape_cast %get3A_217 : vector<1x16xf32> to vector<16xf32>
        %mul3A_219 = arith.mulf %mul3A_214, %get3A_218 : vector<16xf32>
        %add3A_220 = arith.addf %add3A_205, %mul3A_219 : vector<16xf32>
        %get3A_221 = arith.index_cast %add3A_132 : i32 to index
        %get3A_222 = arith.constant 96 : index
        %get3A_223 = tpu.vector_load %arg17[%get3A_221, %get3A_222] {strides = array<i32>} : memref<128x128xf32, #tpu.memory_space<vmem>>, vector<1x16xf32>,
        %get3A_224 = vector.shape_cast %get3A_223 : vector<1x16xf32> to vector<16xf32>
        %get3A_225 = arith.index_cast %add3A_132 : i32 to index
        %get3A_226 = arith.constant 96 : index
        %get3A_227 = tpu.vector_load %arg18[%get3A_225, %get3A_226] {strides = array<i32>} : memref<128x128xf32, #tpu.memory_space<vmem>>, vector<1x16xf32>,
        %get3A_228 = vector.shape_cast %get3A_227 : vector<1x16xf32> to vector<16xf32>
        %mul3A_229 = arith.mulf %get3A_224, %get3A_228 : vector<16xf32>
        %get3A_230 = arith.index_cast %add3A_132 : i32 to index
        %get3A_231 = arith.constant 96 : index
        %get3A_232 = tpu.vector_load %arg19[%get3A_230, %get3A_231] {strides = array<i32>} : memref<128x128xf32, #tpu.memory_space<vmem>>, vector<1x16xf32>,
        %get3A_233 = vector.shape_cast %get3A_232 : vector<1x16xf32> to vector<16xf32>
        %mul3A_234 = arith.mulf %mul3A_229, %get3A_233 : vector<16xf32>
        %add3A_235 = arith.addf %add3A_220, %mul3A_234 : vector<16xf32>
        %get3A_236 = arith.index_cast %add3A_132 : i32 to index
        %get3A_237 = arith.constant 112 : index
        %get3A_238 = tpu.vector_load %arg17[%get3A_236, %get3A_237] {strides = array<i32>} : memref<128x128xf32, #tpu.memory_space<vmem>>, vector<1x16xf32>,
        %get3A_239 = vector.shape_cast %get3A_238 : vector<1x16xf32> to vector<16xf32>
        %get3A_240 = arith.index_cast %add3A_132 : i32 to index
        %get3A_241 = arith.constant 112 : index
        %get3A_242 = tpu.vector_load %arg18[%get3A_240, %get3A_241] {strides = array<i32>} : memref<128x128xf32, #tpu.memory_space<vmem>>, vector<1x16xf32>,
        %get3A_243 = vector.shape_cast %get3A_242 : vector<1x16xf32> to vector<16xf32>
        %mul3A_244 = arith.mulf %get3A_239, %get3A_243 : vector<16xf32>
        %get3A_245 = arith.index_cast %add3A_132 : i32 to index
        %get3A_246 = arith.constant 112 : index
        %get3A_247 = tpu.vector_load %arg19[%get3A_245, %get3A_246] {strides = array<i32>} : memref<128x128xf32, #tpu.memory_space<vmem>>, vector<1x16xf32>,
        %get3A_248 = vector.shape_cast %get3A_247 : vector<1x16xf32> to vector<16xf32>
        %mul3A_249 = arith.mulf %mul3A_244, %get3A_248 : vector<16xf32>
        %add3A_250 = arith.addf %add3A_235, %mul3A_249 : vector<16xf32>
        %swap3A = arith.index_cast %add3A_132 : i32 to index
        %swap3A_251 = arith.constant 0 : index
        %swap3A_252 = tpu.vector_load %arg20[%swap3A, %swap3A_251] {strides = array<i32>} : memref<128x16xf32, #tpu.memory_space<vmem>>, vector<1x16xf32>,
        %swap3A_253 = vector.shape_cast %swap3A_252 : vector<1x16xf32> to vector<16xf32>
        %swap3A_254 = vector.shape_cast %add3A_250 : vector<16xf32> to vector<1x16xf32>
        tpu.vector_store %arg20[%swap3A, %swap3A_251], %swap3A_254 {strides = array<i32>} : memref<128x16xf32, #tpu.memory_space<vmem>>, vector<1x16xf32>,
        %mul3A_255 = arith.constant 4 : i32
        %mul3A_256 = arith.muli %scan3A_127, %mul3A_255 : i32
        %add3A_257 = arith.constant 1 : i32
        %add3A_258 = arith.addi %mul3A_256, %add3A_257 : i32
        %get3A_259 = arith.index_cast %add3A_258 : i32 to index
        %get3A_260 = arith.constant 0 : index
        %get3A_261 = tpu.vector_load %arg17[%get3A_259, %get3A_260] {strides = array<i32>} : memref<128x128xf32, #tpu.memory_space<vmem>>, vector<1x16xf32>,
        %get3A_262 = vector.shape_cast %get3A_261 : vector<1x16xf32> to vector<16xf32>
        %get3A_263 = arith.index_cast %add3A_258 : i32 to index
        %get3A_264 = arith.constant 0 : index
        %get3A_265 = tpu.vector_load %arg18[%get3A_263, %get3A_264] {strides = array<i32>} : memref<128x128xf32, #tpu.memory_space<vmem>>, vector<1x16xf32>,
        %get3A_266 = vector.shape_cast %get3A_265 : vector<1x16xf32> to vector<16xf32>
        %mul3A_267 = arith.mulf %get3A_262, %get3A_266 : vector<16xf32>
        %get3A_268 = arith.index_cast %add3A_258 : i32 to index
        %get3A_269 = arith.constant 0 : index
        %get3A_270 = tpu.vector_load %arg19[%get3A_268, %get3A_269] {strides = array<i32>} : memref<128x128xf32, #tpu.memory_space<vmem>>, vector<1x16xf32>,
        %get3A_271 = vector.shape_cast %get3A_270 : vector<1x16xf32> to vector<16xf32>
        %mul3A_272 = arith.mulf %mul3A_267, %get3A_271 : vector<16xf32>
        %get3A_273 = arith.index_cast %add3A_258 : i32 to index
        %get3A_274 = arith.constant 16 : index
        %get3A_275 = tpu.vector_load %arg17[%get3A_273, %get3A_274] {strides = array<i32>} : memref<128x128xf32, #tpu.memory_space<vmem>>, vector<1x16xf32>,
        %get3A_276 = vector.shape_cast %get3A_275 : vector<1x16xf32> to vector<16xf32>
        %get3A_277 = arith.index_cast %add3A_258 : i32 to index
        %get3A_278 = arith.constant 16 : index
        %get3A_279 = tpu.vector_load %arg18[%get3A_277, %get3A_278] {strides = array<i32>} : memref<128x128xf32, #tpu.memory_space<vmem>>, vector<1x16xf32>,
        %get3A_280 = vector.shape_cast %get3A_279 : vector<1x16xf32> to vector<16xf32>
        %mul3A_281 = arith.mulf %get3A_276, %get3A_280 : vector<16xf32>
        %get3A_282 = arith.index_cast %add3A_258 : i32 to index
        %get3A_283 = arith.constant 16 : index
        %get3A_284 = tpu.vector_load %arg19[%get3A_282, %get3A_283] {strides = array<i32>} : memref<128x128xf32, #tpu.memory_space<vmem>>, vector<1x16xf32>,
        %get3A_285 = vector.shape_cast %get3A_284 : vector<1x16xf32> to vector<16xf32>
        %mul3A_286 = arith.mulf %mul3A_281, %get3A_285 : vector<16xf32>
        %add3A_287 = arith.addf %mul3A_272, %mul3A_286 : vector<16xf32>
        %get3A_288 = arith.index_cast %add3A_258 : i32 to index
        %get3A_289 = arith.constant 32 : index
        %get3A_290 = tpu.vector_load %arg17[%get3A_288, %get3A_289] {strides = array<i32>} : memref<128x128xf32, #tpu.memory_space<vmem>>, vector<1x16xf32>,
        %get3A_291 = vector.shape_cast %get3A_290 : vector<1x16xf32> to vector<16xf32>
        %get3A_292 = arith.index_cast %add3A_258 : i32 to index
        %get3A_293 = arith.constant 32 : index
        %get3A_294 = tpu.vector_load %arg18[%get3A_292, %get3A_293] {strides = array<i32>} : memref<128x128xf32, #tpu.memory_space<vmem>>, vector<1x16xf32>,
        %get3A_295 = vector.shape_cast %get3A_294 : vector<1x16xf32> to vector<16xf32>
        %mul3A_296 = arith.mulf %get3A_291, %get3A_295 : vector<16xf32>
        %get3A_297 = arith.index_cast %add3A_258 : i32 to index
        %get3A_298 = arith.constant 32 : index
        %get3A_299 = tpu.vector_load %arg19[%get3A_297, %get3A_298] {strides = array<i32>} : memref<128x128xf32, #tpu.memory_space<vmem>>, vector<1x16xf32>,
        %get3A_300 = vector.shape_cast %get3A_299 : vector<1x16xf32> to vector<16xf32>
        %mul3A_301 = arith.mulf %mul3A_296, %get3A_300 : vector<16xf32>
        %add3A_302 = arith.addf %add3A_287, %mul3A_301 : vector<16xf32>
        %get3A_303 = arith.index_cast %add3A_258 : i32 to index
        %get3A_304 = arith.constant 48 : index
        %get3A_305 = tpu.vector_load %arg17[%get3A_303, %get3A_304] {strides = array<i32>} : memref<128x128xf32, #tpu.memory_space<vmem>>, vector<1x16xf32>,
        %get3A_306 = vector.shape_cast %get3A_305 : vector<1x16xf32> to vector<16xf32>
        %get3A_307 = arith.index_cast %add3A_258 : i32 to index
        %get3A_308 = arith.constant 48 : index
        %get3A_309 = tpu.vector_load %arg18[%get3A_307, %get3A_308] {strides = array<i32>} : memref<128x128xf32, #tpu.memory_space<vmem>>, vector<1x16xf32>,
        %get3A_310 = vector.shape_cast %get3A_309 : vector<1x16xf32> to vector<16xf32>
        %mul3A_311 = arith.mulf %get3A_306, %get3A_310 : vector<16xf32>
        %get3A_312 = arith.index_cast %add3A_258 : i32 to index
        %get3A_313 = arith.constant 48 : index
        %get3A_314 = tpu.vector_load %arg19[%get3A_312, %get3A_313] {strides = array<i32>} : memref<128x128xf32, #tpu.memory_space<vmem>>, vector<1x16xf32>,
        %get3A_315 = vector.shape_cast %get3A_314 : vector<1x16xf32> to vector<16xf32>
        %mul3A_316 = arith.mulf %mul3A_311, %get3A_315 : vector<16xf32>
        %add3A_317 = arith.addf %add3A_302, %mul3A_316 : vector<16xf32>
        %get3A_318 = arith.index_cast %add3A_258 : i32 to index
        %get3A_319 = arith.constant 64 : index
        %get3A_320 = tpu.vector_load %arg17[%get3A_318, %get3A_319] {strides = array<i32>} : memref<128x128xf32, #tpu.memory_space<vmem>>, vector<1x16xf32>,
        %get3A_321 = vector.shape_cast %get3A_320 : vector<1x16xf32> to vector<16xf32>
        %get3A_322 = arith.index_cast %add3A_258 : i32 to index
        %get3A_323 = arith.constant 64 : index
        %get3A_324 = tpu.vector_load %arg18[%get3A_322, %get3A_323] {strides = array<i32>} : memref<128x128xf32, #tpu.memory_space<vmem>>, vector<1x16xf32>,
        %get3A_325 = vector.shape_cast %get3A_324 : vector<1x16xf32> to vector<16xf32>
        %mul3A_326 = arith.mulf %get3A_321, %get3A_325 : vector<16xf32>
        %get3A_327 = arith.index_cast %add3A_258 : i32 to index
        %get3A_328 = arith.constant 64 : index
        %get3A_329 = tpu.vector_load %arg19[%get3A_327, %get3A_328] {strides = array<i32>} : memref<128x128xf32, #tpu.memory_space<vmem>>, vector<1x16xf32>,
        %get3A_330 = vector.shape_cast %get3A_329 : vector<1x16xf32> to vector<16xf32>
        %mul3A_331 = arith.mulf %mul3A_326, %get3A_330 : vector<16xf32>
        %add3A_332 = arith.addf %add3A_317, %mul3A_331 : vector<16xf32>
        %get3A_333 = arith.index_cast %add3A_258 : i32 to index
        %get3A_334 = arith.constant 80 : index
        %get3A_335 = tpu.vector_load %arg17[%get3A_333, %get3A_334] {strides = array<i32>} : memref<128x128xf32, #tpu.memory_space<vmem>>, vector<1x16xf32>,
        %get3A_336 = vector.shape_cast %get3A_335 : vector<1x16xf32> to vector<16xf32>
        %get3A_337 = arith.index_cast %add3A_258 : i32 to index
        %get3A_338 = arith.constant 80 : index
        %get3A_339 = tpu.vector_load %arg18[%get3A_337, %get3A_338] {strides = array<i32>} : memref<128x128xf32, #tpu.memory_space<vmem>>, vector<1x16xf32>,
        %get3A_340 = vector.shape_cast %get3A_339 : vector<1x16xf32> to vector<16xf32>
        %mul3A_341 = arith.mulf %get3A_336, %get3A_340 : vector<16xf32>
        %get3A_342 = arith.index_cast %add3A_258 : i32 to index
        %get3A_343 = arith.constant 80 : index
        %get3A_344 = tpu.vector_load %arg19[%get3A_342, %get3A_343] {strides = array<i32>} : memref<128x128xf32, #tpu.memory_space<vmem>>, vector<1x16xf32>,
        %get3A_345 = vector.shape_cast %get3A_344 : vector<1x16xf32> to vector<16xf32>
        %mul3A_346 = arith.mulf %mul3A_341, %get3A_345 : vector<16xf32>
        %add3A_347 = arith.addf %add3A_332, %mul3A_346 : vector<16xf32>
        %get3A_348 = arith.index_cast %add3A_258 : i32 to index
        %get3A_349 = arith.constant 96 : index
        %get3A_350 = tpu.vector_load %arg17[%get3A_348, %get3A_349] {strides = array<i32>} : memref<128x128xf32, #tpu.memory_space<vmem>>, vector<1x16xf32>,
        %get3A_351 = vector.shape_cast %get3A_350 : vector<1x16xf32> to vector<16xf32>
        %get3A_352 = arith.index_cast %add3A_258 : i32 to index
        %get3A_353 = arith.constant 96 : index
        %get3A_354 = tpu.vector_load %arg18[%get3A_352, %get3A_353] {strides = array<i32>} : memref<128x128xf32, #tpu.memory_space<vmem>>, vector<1x16xf32>,
        %get3A_355 = vector.shape_cast %get3A_354 : vector<1x16xf32> to vector<16xf32>
        %mul3A_356 = arith.mulf %get3A_351, %get3A_355 : vector<16xf32>
        %get3A_357 = arith.index_cast %add3A_258 : i32 to index
        %get3A_358 = arith.constant 96 : index
        %get3A_359 = tpu.vector_load %arg19[%get3A_357, %get3A_358] {strides = array<i32>} : memref<128x128xf32, #tpu.memory_space<vmem>>, vector<1x16xf32>,
        %get3A_360 = vector.shape_cast %get3A_359 : vector<1x16xf32> to vector<16xf32>
        %mul3A_361 = arith.mulf %mul3A_356, %get3A_360 : vector<16xf32>
        %add3A_362 = arith.addf %add3A_347, %mul3A_361 : vector<16xf32>
        %get3A_363 = arith.index_cast %add3A_258 : i32 to index
        %get3A_364 = arith.constant 112 : index
        %get3A_365 = tpu.vector_load %arg17[%get3A_363, %get3A_364] {strides = array<i32>} : memref<128x128xf32, #tpu.memory_space<vmem>>, vector<1x16xf32>,
        %get3A_366 = vector.shape_cast %get3A_365 : vector<1x16xf32> to vector<16xf32>
        %get3A_367 = arith.index_cast %add3A_258 : i32 to index
        %get3A_368 = arith.constant 112 : index
        %get3A_369 = tpu.vector_load %arg18[%get3A_367, %get3A_368] {strides = array<i32>} : memref<128x128xf32, #tpu.memory_space<vmem>>, vector<1x16xf32>,
        %get3A_370 = vector.shape_cast %get3A_369 : vector<1x16xf32> to vector<16xf32>
        %mul3A_371 = arith.mulf %get3A_366, %get3A_370 : vector<16xf32>
        %get3A_372 = arith.index_cast %add3A_258 : i32 to index
        %get3A_373 = arith.constant 112 : index
        %get3A_374 = tpu.vector_load %arg19[%get3A_372, %get3A_373] {strides = array<i32>} : memref<128x128xf32, #tpu.memory_space<vmem>>, vector<1x16xf32>,
        %get3A_375 = vector.shape_cast %get3A_374 : vector<1x16xf32> to vector<16xf32>
        %mul3A_376 = arith.mulf %mul3A_371, %get3A_375 : vector<16xf32>
        %add3A_377 = arith.addf %add3A_362, %mul3A_376 : vector<16xf32>
        %swap3A_378 = arith.index_cast %add3A_258 : i32 to index
        %swap3A_379 = arith.constant 0 : index
        %swap3A_380 = tpu.vector_load %arg20[%swap3A_378, %swap3A_379] {strides = array<i32>} : memref<128x16xf32, #tpu.memory_space<vmem>>, vector<1x16xf32>,
        %swap3A_381 = vector.shape_cast %swap3A_380 : vector<1x16xf32> to vector<16xf32>
        %swap3A_382 = vector.shape_cast %add3A_377 : vector<16xf32> to vector<1x16xf32>
        tpu.vector_store %arg20[%swap3A_378, %swap3A_379], %swap3A_382 {strides = array<i32>} : memref<128x16xf32, #tpu.memory_space<vmem>>, vector<1x16xf32>,
        %mul3A_383 = arith.constant 4 : i32
        %mul3A_384 = arith.muli %scan3A_127, %mul3A_383 : i32
        %add3A_385 = arith.constant 2 : i32
        %add3A_386 = arith.addi %mul3A_384, %add3A_385 : i32
        %get3A_387 = arith.index_cast %add3A_386 : i32 to index
        %get3A_388 = arith.constant 0 : index
        %get3A_389 = tpu.vector_load %arg17[%get3A_387, %get3A_388] {strides = array<i32>} : memref<128x128xf32, #tpu.memory_space<vmem>>, vector<1x16xf32>,
        %get3A_390 = vector.shape_cast %get3A_389 : vector<1x16xf32> to vector<16xf32>
        %get3A_391 = arith.index_cast %add3A_386 : i32 to index
        %get3A_392 = arith.constant 0 : index
        %get3A_393 = tpu.vector_load %arg18[%get3A_391, %get3A_392] {strides = array<i32>} : memref<128x128xf32, #tpu.memory_space<vmem>>, vector<1x16xf32>,
        %get3A_394 = vector.shape_cast %get3A_393 : vector<1x16xf32> to vector<16xf32>
        %mul3A_395 = arith.mulf %get3A_390, %get3A_394 : vector<16xf32>
        %get3A_396 = arith.index_cast %add3A_386 : i32 to index
        %get3A_397 = arith.constant 0 : index
        %get3A_398 = tpu.vector_load %arg19[%get3A_396, %get3A_397] {strides = array<i32>} : memref<128x128xf32, #tpu.memory_space<vmem>>, vector<1x16xf32>,
        %get3A_399 = vector.shape_cast %get3A_398 : vector<1x16xf32> to vector<16xf32>
        %mul3A_400 = arith.mulf %mul3A_395, %get3A_399 : vector<16xf32>
        %get3A_401 = arith.index_cast %add3A_386 : i32 to index
        %get3A_402 = arith.constant 16 : index
        %get3A_403 = tpu.vector_load %arg17[%get3A_401, %get3A_402] {strides = array<i32>} : memref<128x128xf32, #tpu.memory_space<vmem>>, vector<1x16xf32>,
        %get3A_404 = vector.shape_cast %get3A_403 : vector<1x16xf32> to vector<16xf32>
        %get3A_405 = arith.index_cast %add3A_386 : i32 to index
        %get3A_406 = arith.constant 16 : index
        %get3A_407 = tpu.vector_load %arg18[%get3A_405, %get3A_406] {strides = array<i32>} : memref<128x128xf32, #tpu.memory_space<vmem>>, vector<1x16xf32>,
        %get3A_408 = vector.shape_cast %get3A_407 : vector<1x16xf32> to vector<16xf32>
        %mul3A_409 = arith.mulf %get3A_404, %get3A_408 : vector<16xf32>
        %get3A_410 = arith.index_cast %add3A_386 : i32 to index
        %get3A_411 = arith.constant 16 : index
        %get3A_412 = tpu.vector_load %arg19[%get3A_410, %get3A_411] {strides = array<i32>} : memref<128x128xf32, #tpu.memory_space<vmem>>, vector<1x16xf32>,
        %get3A_413 = vector.shape_cast %get3A_412 : vector<1x16xf32> to vector<16xf32>
        %mul3A_414 = arith.mulf %mul3A_409, %get3A_413 : vector<16xf32>
        %add3A_415 = arith.addf %mul3A_400, %mul3A_414 : vector<16xf32>
        %get3A_416 = arith.index_cast %add3A_386 : i32 to index
        %get3A_417 = arith.constant 32 : index
        %get3A_418 = tpu.vector_load %arg17[%get3A_416, %get3A_417] {strides = array<i32>} : memref<128x128xf32, #tpu.memory_space<vmem>>, vector<1x16xf32>,
        %get3A_419 = vector.shape_cast %get3A_418 : vector<1x16xf32> to vector<16xf32>
        %get3A_420 = arith.index_cast %add3A_386 : i32 to index
        %get3A_421 = arith.constant 32 : index
        %get3A_422 = tpu.vector_load %arg18[%get3A_420, %get3A_421] {strides = array<i32>} : memref<128x128xf32, #tpu.memory_space<vmem>>, vector<1x16xf32>,
        %get3A_423 = vector.shape_cast %get3A_422 : vector<1x16xf32> to vector<16xf32>
        %mul3A_424 = arith.mulf %get3A_419, %get3A_423 : vector<16xf32>
        %get3A_425 = arith.index_cast %add3A_386 : i32 to index
        %get3A_426 = arith.constant 32 : index
        %get3A_427 = tpu.vector_load %arg19[%get3A_425, %get3A_426] {strides = array<i32>} : memref<128x128xf32, #tpu.memory_space<vmem>>, vector<1x16xf32>,
        %get3A_428 = vector.shape_cast %get3A_427 : vector<1x16xf32> to vector<16xf32>
        %mul3A_429 = arith.mulf %mul3A_424, %get3A_428 : vector<16xf32>
        %add3A_430 = arith.addf %add3A_415, %mul3A_429 : vector<16xf32>
        %get3A_431 = arith.index_cast %add3A_386 : i32 to index
        %get3A_432 = arith.constant 48 : index
        %get3A_433 = tpu.vector_load %arg17[%get3A_431, %get3A_432] {strides = array<i32>} : memref<128x128xf32, #tpu.memory_space<vmem>>, vector<1x16xf32>,
        %get3A_434 = vector.shape_cast %get3A_433 : vector<1x16xf32> to vector<16xf32>
        %get3A_435 = arith.index_cast %add3A_386 : i32 to index
        %get3A_436 = arith.constant 48 : index
        %get3A_437 = tpu.vector_load %arg18[%get3A_435, %get3A_436] {strides = array<i32>} : memref<128x128xf32, #tpu.memory_space<vmem>>, vector<1x16xf32>,
        %get3A_438 = vector.shape_cast %get3A_437 : vector<1x16xf32> to vector<16xf32>
        %mul3A_439 = arith.mulf %get3A_434, %get3A_438 : vector<16xf32>
        %get3A_440 = arith.index_cast %add3A_386 : i32 to index
        %get3A_441 = arith.constant 48 : index
        %get3A_442 = tpu.vector_load %arg19[%get3A_440, %get3A_441] {strides = array<i32>} : memref<128x128xf32, #tpu.memory_space<vmem>>, vector<1x16xf32>,
        %get3A_443 = vector.shape_cast %get3A_442 : vector<1x16xf32> to vector<16xf32>
        %mul3A_444 = arith.mulf %mul3A_439, %get3A_443 : vector<16xf32>
        %add3A_445 = arith.addf %add3A_430, %mul3A_444 : vector<16xf32>
        %get3A_446 = arith.index_cast %add3A_386 : i32 to index
        %get3A_447 = arith.constant 64 : index
        %get3A_448 = tpu.vector_load %arg17[%get3A_446, %get3A_447] {strides = array<i32>} : memref<128x128xf32, #tpu.memory_space<vmem>>, vector<1x16xf32>,
        %get3A_449 = vector.shape_cast %get3A_448 : vector<1x16xf32> to vector<16xf32>
        %get3A_450 = arith.index_cast %add3A_386 : i32 to index
        %get3A_451 = arith.constant 64 : index
        %get3A_452 = tpu.vector_load %arg18[%get3A_450, %get3A_451] {strides = array<i32>} : memref<128x128xf32, #tpu.memory_space<vmem>>, vector<1x16xf32>,
        %get3A_453 = vector.shape_cast %get3A_452 : vector<1x16xf32> to vector<16xf32>
        %mul3A_454 = arith.mulf %get3A_449, %get3A_453 : vector<16xf32>
        %get3A_455 = arith.index_cast %add3A_386 : i32 to index
        %get3A_456 = arith.constant 64 : index
        %get3A_457 = tpu.vector_load %arg19[%get3A_455, %get3A_456] {strides = array<i32>} : memref<128x128xf32, #tpu.memory_space<vmem>>, vector<1x16xf32>,
        %get3A_458 = vector.shape_cast %get3A_457 : vector<1x16xf32> to vector<16xf32>
        %mul3A_459 = arith.mulf %mul3A_454, %get3A_458 : vector<16xf32>
        %add3A_460 = arith.addf %add3A_445, %mul3A_459 : vector<16xf32>
        %get3A_461 = arith.index_cast %add3A_386 : i32 to index
        %get3A_462 = arith.constant 80 : index
        %get3A_463 = tpu.vector_load %arg17[%get3A_461, %get3A_462] {strides = array<i32>} : memref<128x128xf32, #tpu.memory_space<vmem>>, vector<1x16xf32>,
        %get3A_464 = vector.shape_cast %get3A_463 : vector<1x16xf32> to vector<16xf32>
        %get3A_465 = arith.index_cast %add3A_386 : i32 to index
        %get3A_466 = arith.constant 80 : index
        %get3A_467 = tpu.vector_load %arg18[%get3A_465, %get3A_466] {strides = array<i32>} : memref<128x128xf32, #tpu.memory_space<vmem>>, vector<1x16xf32>,
        %get3A_468 = vector.shape_cast %get3A_467 : vector<1x16xf32> to vector<16xf32>
        %mul3A_469 = arith.mulf %get3A_464, %get3A_468 : vector<16xf32>
        %get3A_470 = arith.index_cast %add3A_386 : i32 to index
        %get3A_471 = arith.constant 80 : index
        %get3A_472 = tpu.vector_load %arg19[%get3A_470, %get3A_471] {strides = array<i32>} : memref<128x128xf32, #tpu.memory_space<vmem>>, vector<1x16xf32>,
        %get3A_473 = vector.shape_cast %get3A_472 : vector<1x16xf32> to vector<16xf32>
        %mul3A_474 = arith.mulf %mul3A_469, %get3A_473 : vector<16xf32>
        %add3A_475 = arith.addf %add3A_460, %mul3A_474 : vector<16xf32>
        %get3A_476 = arith.index_cast %add3A_386 : i32 to index
        %get3A_477 = arith.constant 96 : index
        %get3A_478 = tpu.vector_load %arg17[%get3A_476, %get3A_477] {strides = array<i32>} : memref<128x128xf32, #tpu.memory_space<vmem>>, vector<1x16xf32>,
        %get3A_479 = vector.shape_cast %get3A_478 : vector<1x16xf32> to vector<16xf32>
        %get3A_480 = arith.index_cast %add3A_386 : i32 to index
        %get3A_481 = arith.constant 96 : index
        %get3A_482 = tpu.vector_load %arg18[%get3A_480, %get3A_481] {strides = array<i32>} : memref<128x128xf32, #tpu.memory_space<vmem>>, vector<1x16xf32>,
        %get3A_483 = vector.shape_cast %get3A_482 : vector<1x16xf32> to vector<16xf32>
        %mul3A_484 = arith.mulf %get3A_479, %get3A_483 : vector<16xf32>
        %get3A_485 = arith.index_cast %add3A_386 : i32 to index
        %get3A_486 = arith.constant 96 : index
        %get3A_487 = tpu.vector_load %arg19[%get3A_485, %get3A_486] {strides = array<i32>} : memref<128x128xf32, #tpu.memory_space<vmem>>, vector<1x16xf32>,
        %get3A_488 = vector.shape_cast %get3A_487 : vector<1x16xf32> to vector<16xf32>
        %mul3A_489 = arith.mulf %mul3A_484, %get3A_488 : vector<16xf32>
        %add3A_490 = arith.addf %add3A_475, %mul3A_489 : vector<16xf32>
        %get3A_491 = arith.index_cast %add3A_386 : i32 to index
        %get3A_492 = arith.constant 112 : index
        %get3A_493 = tpu.vector_load %arg17[%get3A_491, %get3A_492] {strides = array<i32>} : memref<128x128xf32, #tpu.memory_space<vmem>>, vector<1x16xf32>,
        %get3A_494 = vector.shape_cast %get3A_493 : vector<1x16xf32> to vector<16xf32>
        %get3A_495 = arith.index_cast %add3A_386 : i32 to index
        %get3A_496 = arith.constant 112 : index
        %get3A_497 = tpu.vector_load %arg18[%get3A_495, %get3A_496] {strides = array<i32>} : memref<128x128xf32, #tpu.memory_space<vmem>>, vector<1x16xf32>,
        %get3A_498 = vector.shape_cast %get3A_497 : vector<1x16xf32> to vector<16xf32>
        %mul3A_499 = arith.mulf %get3A_494, %get3A_498 : vector<16xf32>
        %get3A_500 = arith.index_cast %add3A_386 : i32 to index
        %get3A_501 = arith.constant 112 : index
        %get3A_502 = tpu.vector_load %arg19[%get3A_500, %get3A_501] {strides = array<i32>} : memref<128x128xf32, #tpu.memory_space<vmem>>, vector<1x16xf32>,
        %get3A_503 = vector.shape_cast %get3A_502 : vector<1x16xf32> to vector<16xf32>
        %mul3A_504 = arith.mulf %mul3A_499, %get3A_503 : vector<16xf32>
        %add3A_505 = arith.addf %add3A_490, %mul3A_504 : vector<16xf32>
        %swap3A_506 = arith.index_cast %add3A_386 : i32 to index
        %swap3A_507 = arith.constant 0 : index
        %swap3A_508 = tpu.vector_load %arg20[%swap3A_506, %swap3A_507] {strides = array<i32>} : memref<128x16xf32, #tpu.memory_space<vmem>>, vector<1x16xf32>,
        %swap3A_509 = vector.shape_cast %swap3A_508 : vector<1x16xf32> to vector<16xf32>
        %swap3A_510 = vector.shape_cast %add3A_505 : vector<16xf32> to vector<1x16xf32>
        tpu.vector_store %arg20[%swap3A_506, %swap3A_507], %swap3A_510 {strides = array<i32>} : memref<128x16xf32, #tpu.memory_space<vmem>>, vector<1x16xf32>,
        %mul3A_511 = arith.constant 4 : i32
        %mul3A_512 = arith.muli %scan3A_127, %mul3A_511 : i32
        %add3A_513 = arith.constant 3 : i32
        %add3A_514 = arith.addi %mul3A_512, %add3A_513 : i32
        %get3A_515 = arith.index_cast %add3A_514 : i32 to index
        %get3A_516 = arith.constant 0 : index
        %get3A_517 = tpu.vector_load %arg17[%get3A_515, %get3A_516] {strides = array<i32>} : memref<128x128xf32, #tpu.memory_space<vmem>>, vector<1x16xf32>,
        %get3A_518 = vector.shape_cast %get3A_517 : vector<1x16xf32> to vector<16xf32>
        %get3A_519 = arith.index_cast %add3A_514 : i32 to index
        %get3A_520 = arith.constant 0 : index
        %get3A_521 = tpu.vector_load %arg18[%get3A_519, %get3A_520] {strides = array<i32>} : memref<128x128xf32, #tpu.memory_space<vmem>>, vector<1x16xf32>,
        %get3A_522 = vector.shape_cast %get3A_521 : vector<1x16xf32> to vector<16xf32>
        %mul3A_523 = arith.mulf %get3A_518, %get3A_522 : vector<16xf32>
        %get3A_524 = arith.index_cast %add3A_514 : i32 to index
        %get3A_525 = arith.constant 0 : index
        %get3A_526 = tpu.vector_load %arg19[%get3A_524, %get3A_525] {strides = array<i32>} : memref<128x128xf32, #tpu.memory_space<vmem>>, vector<1x16xf32>,
        %get3A_527 = vector.shape_cast %get3A_526 : vector<1x16xf32> to vector<16xf32>
        %mul3A_528 = arith.mulf %mul3A_523, %get3A_527 : vector<16xf32>
        %get3A_529 = arith.index_cast %add3A_514 : i32 to index
        %get3A_530 = arith.constant 16 : index
        %get3A_531 = tpu.vector_load %arg17[%get3A_529, %get3A_530] {strides = array<i32>} : memref<128x128xf32, #tpu.memory_space<vmem>>, vector<1x16xf32>,
        %get3A_532 = vector.shape_cast %get3A_531 : vector<1x16xf32> to vector<16xf32>
        %get3A_533 = arith.index_cast %add3A_514 : i32 to index
        %get3A_534 = arith.constant 16 : index
        %get3A_535 = tpu.vector_load %arg18[%get3A_533, %get3A_534] {strides = array<i32>} : memref<128x128xf32, #tpu.memory_space<vmem>>, vector<1x16xf32>,
        %get3A_536 = vector.shape_cast %get3A_535 : vector<1x16xf32> to vector<16xf32>
        %mul3A_537 = arith.mulf %get3A_532, %get3A_536 : vector<16xf32>
        %get3A_538 = arith.index_cast %add3A_514 : i32 to index
        %get3A_539 = arith.constant 16 : index
        %get3A_540 = tpu.vector_load %arg19[%get3A_538, %get3A_539] {strides = array<i32>} : memref<128x128xf32, #tpu.memory_space<vmem>>, vector<1x16xf32>,
        %get3A_541 = vector.shape_cast %get3A_540 : vector<1x16xf32> to vector<16xf32>
        %mul3A_542 = arith.mulf %mul3A_537, %get3A_541 : vector<16xf32>
        %add3A_543 = arith.addf %mul3A_528, %mul3A_542 : vector<16xf32>
        %get3A_544 = arith.index_cast %add3A_514 : i32 to index
        %get3A_545 = arith.constant 32 : index
        %get3A_546 = tpu.vector_load %arg17[%get3A_544, %get3A_545] {strides = array<i32>} : memref<128x128xf32, #tpu.memory_space<vmem>>, vector<1x16xf32>,
        %get3A_547 = vector.shape_cast %get3A_546 : vector<1x16xf32> to vector<16xf32>
        %get3A_548 = arith.index_cast %add3A_514 : i32 to index
        %get3A_549 = arith.constant 32 : index
        %get3A_550 = tpu.vector_load %arg18[%get3A_548, %get3A_549] {strides = array<i32>} : memref<128x128xf32, #tpu.memory_space<vmem>>, vector<1x16xf32>,
        %get3A_551 = vector.shape_cast %get3A_550 : vector<1x16xf32> to vector<16xf32>
        %mul3A_552 = arith.mulf %get3A_547, %get3A_551 : vector<16xf32>
        %get3A_553 = arith.index_cast %add3A_514 : i32 to index
        %get3A_554 = arith.constant 32 : index
        %get3A_555 = tpu.vector_load %arg19[%get3A_553, %get3A_554] {strides = array<i32>} : memref<128x128xf32, #tpu.memory_space<vmem>>, vector<1x16xf32>,
        %get3A_556 = vector.shape_cast %get3A_555 : vector<1x16xf32> to vector<16xf32>
        %mul3A_557 = arith.mulf %mul3A_552, %get3A_556 : vector<16xf32>
        %add3A_558 = arith.addf %add3A_543, %mul3A_557 : vector<16xf32>
        %get3A_559 = arith.index_cast %add3A_514 : i32 to index
        %get3A_560 = arith.constant 48 : index
        %get3A_561 = tpu.vector_load %arg17[%get3A_559, %get3A_560] {strides = array<i32>} : memref<128x128xf32, #tpu.memory_space<vmem>>, vector<1x16xf32>,
        %get3A_562 = vector.shape_cast %get3A_561 : vector<1x16xf32> to vector<16xf32>
        %get3A_563 = arith.index_cast %add3A_514 : i32 to index
        %get3A_564 = arith.constant 48 : index
        %get3A_565 = tpu.vector_load %arg18[%get3A_563, %get3A_564] {strides = array<i32>} : memref<128x128xf32, #tpu.memory_space<vmem>>, vector<1x16xf32>,
        %get3A_566 = vector.shape_cast %get3A_565 : vector<1x16xf32> to vector<16xf32>
        %mul3A_567 = arith.mulf %get3A_562, %get3A_566 : vector<16xf32>
        %get3A_568 = arith.index_cast %add3A_514 : i32 to index
        %get3A_569 = arith.constant 48 : index
        %get3A_570 = tpu.vector_load %arg19[%get3A_568, %get3A_569] {strides = array<i32>} : memref<128x128xf32, #tpu.memory_space<vmem>>, vector<1x16xf32>,
        %get3A_571 = vector.shape_cast %get3A_570 : vector<1x16xf32> to vector<16xf32>
        %mul3A_572 = arith.mulf %mul3A_567, %get3A_571 : vector<16xf32>
        %add3A_573 = arith.addf %add3A_558, %mul3A_572 : vector<16xf32>
        %get3A_574 = arith.index_cast %add3A_514 : i32 to index
        %get3A_575 = arith.constant 64 : index
        %get3A_576 = tpu.vector_load %arg17[%get3A_574, %get3A_575] {strides = array<i32>} : memref<128x128xf32, #tpu.memory_space<vmem>>, vector<1x16xf32>,
        %get3A_577 = vector.shape_cast %get3A_576 : vector<1x16xf32> to vector<16xf32>
        %get3A_578 = arith.index_cast %add3A_514 : i32 to index
        %get3A_579 = arith.constant 64 : index
        %get3A_580 = tpu.vector_load %arg18[%get3A_578, %get3A_579] {strides = array<i32>} : memref<128x128xf32, #tpu.memory_space<vmem>>, vector<1x16xf32>,
        %get3A_581 = vector.shape_cast %get3A_580 : vector<1x16xf32> to vector<16xf32>
        %mul3A_582 = arith.mulf %get3A_577, %get3A_581 : vector<16xf32>
        %get3A_583 = arith.index_cast %add3A_514 : i32 to index
        %get3A_584 = arith.constant 64 : index
        %get3A_585 = tpu.vector_load %arg19[%get3A_583, %get3A_584] {strides = array<i32>} : memref<128x128xf32, #tpu.memory_space<vmem>>, vector<1x16xf32>,
        %get3A_586 = vector.shape_cast %get3A_585 : vector<1x16xf32> to vector<16xf32>
        %mul3A_587 = arith.mulf %mul3A_582, %get3A_586 : vector<16xf32>
        %add3A_588 = arith.addf %add3A_573, %mul3A_587 : vector<16xf32>
        %get3A_589 = arith.index_cast %add3A_514 : i32 to index
        %get3A_590 = arith.constant 80 : index
        %get3A_591 = tpu.vector_load %arg17[%get3A_589, %get3A_590] {strides = array<i32>} : memref<128x128xf32, #tpu.memory_space<vmem>>, vector<1x16xf32>,
        %get3A_592 = vector.shape_cast %get3A_591 : vector<1x16xf32> to vector<16xf32>
        %get3A_593 = arith.index_cast %add3A_514 : i32 to index
        %get3A_594 = arith.constant 80 : index
        %get3A_595 = tpu.vector_load %arg18[%get3A_593, %get3A_594] {strides = array<i32>} : memref<128x128xf32, #tpu.memory_space<vmem>>, vector<1x16xf32>,
        %get3A_596 = vector.shape_cast %get3A_595 : vector<1x16xf32> to vector<16xf32>
        %mul3A_597 = arith.mulf %get3A_592, %get3A_596 : vector<16xf32>
        %get3A_598 = arith.index_cast %add3A_514 : i32 to index
        %get3A_599 = arith.constant 80 : index
        %get3A_600 = tpu.vector_load %arg19[%get3A_598, %get3A_599] {strides = array<i32>} : memref<128x128xf32, #tpu.memory_space<vmem>>, vector<1x16xf32>,
        %get3A_601 = vector.shape_cast %get3A_600 : vector<1x16xf32> to vector<16xf32>
        %mul3A_602 = arith.mulf %mul3A_597, %get3A_601 : vector<16xf32>
        %add3A_603 = arith.addf %add3A_588, %mul3A_602 : vector<16xf32>
        %get3A_604 = arith.index_cast %add3A_514 : i32 to index
        %get3A_605 = arith.constant 96 : index
        %get3A_606 = tpu.vector_load %arg17[%get3A_604, %get3A_605] {strides = array<i32>} : memref<128x128xf32, #tpu.memory_space<vmem>>, vector<1x16xf32>,
        %get3A_607 = vector.shape_cast %get3A_606 : vector<1x16xf32> to vector<16xf32>
        %get3A_608 = arith.index_cast %add3A_514 : i32 to index
        %get3A_609 = arith.constant 96 : index
        %get3A_610 = tpu.vector_load %arg18[%get3A_608, %get3A_609] {strides = array<i32>} : memref<128x128xf32, #tpu.memory_space<vmem>>, vector<1x16xf32>,
        %get3A_611 = vector.shape_cast %get3A_610 : vector<1x16xf32> to vector<16xf32>
        %mul3A_612 = arith.mulf %get3A_607, %get3A_611 : vector<16xf32>
        %get3A_613 = arith.index_cast %add3A_514 : i32 to index
        %get3A_614 = arith.constant 96 : index
        %get3A_615 = tpu.vector_load %arg19[%get3A_613, %get3A_614] {strides = array<i32>} : memref<128x128xf32, #tpu.memory_space<vmem>>, vector<1x16xf32>,
        %get3A_616 = vector.shape_cast %get3A_615 : vector<1x16xf32> to vector<16xf32>
        %mul3A_617 = arith.mulf %mul3A_612, %get3A_616 : vector<16xf32>
        %add3A_618 = arith.addf %add3A_603, %mul3A_617 : vector<16xf32>
        %get3A_619 = arith.index_cast %add3A_514 : i32 to index
        %get3A_620 = arith.constant 112 : index
        %get3A_621 = tpu.vector_load %arg17[%get3A_619, %get3A_620] {strides = array<i32>} : memref<128x128xf32, #tpu.memory_space<vmem>>, vector<1x16xf32>,
        %get3A_622 = vector.shape_cast %get3A_621 : vector<1x16xf32> to vector<16xf32>
        %get3A_623 = arith.index_cast %add3A_514 : i32 to index
        %get3A_624 = arith.constant 112 : index
        %get3A_625 = tpu.vector_load %arg18[%get3A_623, %get3A_624] {strides = array<i32>} : memref<128x128xf32, #tpu.memory_space<vmem>>, vector<1x16xf32>,
        %get3A_626 = vector.shape_cast %get3A_625 : vector<1x16xf32> to vector<16xf32>
        %mul3A_627 = arith.mulf %get3A_622, %get3A_626 : vector<16xf32>
        %get3A_628 = arith.index_cast %add3A_514 : i32 to index
        %get3A_629 = arith.constant 112 : index
        %get3A_630 = tpu.vector_load %arg19[%get3A_628, %get3A_629] {strides = array<i32>} : memref<128x128xf32, #tpu.memory_space<vmem>>, vector<1x16xf32>,
        %get3A_631 = vector.shape_cast %get3A_630 : vector<1x16xf32> to vector<16xf32>
        %mul3A_632 = arith.mulf %mul3A_627, %get3A_631 : vector<16xf32>
        %add3A_633 = arith.addf %add3A_618, %mul3A_632 : vector<16xf32>
        %swap3A_634 = arith.index_cast %add3A_514 : i32 to index
        %swap3A_635 = arith.constant 0 : index
        %swap3A_636 = tpu.vector_load %arg20[%swap3A_634, %swap3A_635] {strides = array<i32>} : memref<128x16xf32, #tpu.memory_space<vmem>>, vector<1x16xf32>,
        %swap3A_637 = vector.shape_cast %swap3A_636 : vector<1x16xf32> to vector<16xf32>
        %swap3A_638 = vector.shape_cast %add3A_633 : vector<16xf32> to vector<1x16xf32>
        tpu.vector_store %arg20[%swap3A_634, %swap3A_635], %swap3A_638 {strides = array<i32>} : memref<128x16xf32, #tpu.memory_space<vmem>>, vector<1x16xf32>,
        %scan3A_639 = arith.constant 0 : i32
        scf.yield %scan3A_639 : i32
      }
      %scan3A_118 = arith.constant 32 : i32
      "tpu.region"() ({
        %run_scoped3A = tpu.sem_alloc : memref<!tpu.dma_semaphore, #tpu.memory_space<semaphore_mem>>
        %dma_start3A_127 = arith.constant 0 : i32
        %dma_start3A_128 = tpu.memref_slice %arg7[%add3A_111, %dma_start3A_127] : memref<327680x16xf32, #tpu.memory_space<hbm>> -> memref<128x16xf32, #tpu.memory_space<hbm>>
        %dma_start3A_129 = arith.constant 0 : i32
        %dma_start3A_130 = tpu.memref_slice %arg7[%add3A_111, %dma_start3A_129] : memref<327680x16xf32, #tpu.memory_space<hbm>> -> memref<128x16xf32, #tpu.memory_space<hbm>>
        tpu.enqueue_dma source(%arg20 : memref<128x16xf32, #tpu.memory_space<vmem>>) target(%dma_start3A_130 : memref<128x16xf32, #tpu.memory_space<hbm>>) target_semaphore(%run_scoped3A : memref<!tpu.dma_semaphore, #tpu.memory_space<semaphore_mem>>)
        %dma_wait3A_131 = arith.constant 0 : i32
        %dma_wait3A_132 = tpu.memref_slice %arg7[%add3A_111, %dma_wait3A_131] : memref<327680x16xf32, #tpu.memory_space<hbm>> -> memref<128x16xf32, #tpu.memory_space<hbm>>
        %dma_wait3A_133 = arith.constant 0 : i32
        %dma_wait3A_134 = tpu.memref_slice %arg7[%add3A_111, %dma_wait3A_133] : memref<327680x16xf32, #tpu.memory_space<hbm>> -> memref<128x16xf32, #tpu.memory_space<hbm>>
        tpu.wait_dma2 semaphore(%run_scoped3A : memref<!tpu.dma_semaphore, #tpu.memory_space<semaphore_mem>>) src(%arg20 : memref<128x16xf32, #tpu.memory_space<vmem>>) dst(%dma_wait3A_134 : memref<128x16xf32, #tpu.memory_space<hbm>>)
        tpu.yield
      }) : () -> ()
      %add3A_119 = arith.constant 3 : i32
      %add3A_120 = arith.addi %mul3A_60, %add3A_119 : i32
      %lt3A_121 = arith.constant 80 : i32
      %lt3A_122 = arith.cmpi slt, %add3A_120, %lt3A_121 : i32
      %convert_element_type3A_123 = arith.extui %lt3A_122 : i1 to i32
      %cond3A_124 = arith.constant 0 : i32
      %cond3A_125 = arith.cmpi ne, %convert_element_type3A_123, %cond3A_124 : i32
      scf.if %cond3A_125 {
        %add3A_127 = arith.constant 3 : i32
        %add3A_128 = arith.addi %mul3A_60, %add3A_127 : i32
        %mul3A_129 = arith.constant 128 : i32
        %mul3A_130 = arith.muli %add3A_128, %mul3A_129 : i32
        %add3A_131 = arith.addi %mul3A_2, %mul3A_130 : i32
        %dma_wait3A_132 = tpu.memref_slice %arg3[%add3A_131] : memref<327680xi32, #tpu.memory_space<hbm>> -> memref<128xi32, #tpu.memory_space<hbm>>
        %dma_wait3A_133 = tpu.memref_slice %arg3[%add3A_131] : memref<327680xi32, #tpu.memory_space<hbm>> -> memref<128xi32, #tpu.memory_space<hbm>>
        tpu.wait_dma2 semaphore(%arg24 : memref<!tpu.dma_semaphore, #tpu.memory_space<semaphore_mem>>) src(%dma_wait3A_133 : memref<128xi32, #tpu.memory_space<hbm>>) dst(%arg14 : memref<128xi32, #tpu.memory_space<vmem>>)
        %dma_wait3A_134 = tpu.memref_slice %arg4[%add3A_131] : memref<327680xi32, #tpu.memory_space<hbm>> -> memref<128xi32, #tpu.memory_space<hbm>>
        %dma_wait3A_135 = tpu.memref_slice %arg4[%add3A_131] : memref<327680xi32, #tpu.memory_space<hbm>> -> memref<128xi32, #tpu.memory_space<hbm>>
        tpu.wait_dma2 semaphore(%arg24 : memref<!tpu.dma_semaphore, #tpu.memory_space<semaphore_mem>>) src(%dma_wait3A_135 : memref<128xi32, #tpu.memory_space<hbm>>) dst(%arg15 : memref<128xi32, #tpu.memory_space<vmem>>)
        %dma_wait3A_136 = tpu.memref_slice %arg5[%add3A_131] : memref<327680xi32, #tpu.memory_space<hbm>> -> memref<128xi32, #tpu.memory_space<hbm>>
        %dma_wait3A_137 = tpu.memref_slice %arg5[%add3A_131] : memref<327680xi32, #tpu.memory_space<hbm>> -> memref<128xi32, #tpu.memory_space<hbm>>
        tpu.wait_dma2 semaphore(%arg24 : memref<!tpu.dma_semaphore, #tpu.memory_space<semaphore_mem>>) src(%dma_wait3A_137 : memref<128xi32, #tpu.memory_space<hbm>>) dst(%arg16 : memref<128xi32, #tpu.memory_space<vmem>>)
        %dma_start3A_138 = arith.constant 0 : i32
        %dma_start3A_139 = arith.constant 0 : i32
        %dma_start3A_140 = tpu.memref_slice %arg2[%dma_start3A_138, %dma_start3A_139] : memref<10000x128xf32, #tpu.memory_space<hbm>> -> memref<10000x128xf32, #tpu.memory_space<hbm>>
        tpu.enqueue_indirect_dma source(%dma_start3A_140 : memref<10000x128xf32, #tpu.memory_space<hbm>>) target(%arg17 : memref<128x128xf32, #tpu.memory_space<vmem>>) offsets(%arg14 : memref<128xi32, #tpu.memory_space<vmem>>) semaphore(%arg22 : memref<!tpu.dma_semaphore, #tpu.memory_space<semaphore_mem>>)
        %dma_start3A_141 = arith.constant 0 : i32
        %dma_start3A_142 = arith.constant 0 : i32
        %dma_start3A_143 = tpu.memref_slice %arg2[%dma_start3A_141, %dma_start3A_142] : memref<10000x128xf32, #tpu.memory_space<hbm>> -> memref<10000x128xf32, #tpu.memory_space<hbm>>
        tpu.enqueue_indirect_dma source(%dma_start3A_143 : memref<10000x128xf32, #tpu.memory_space<hbm>>) target(%arg18 : memref<128x128xf32, #tpu.memory_space<vmem>>) offsets(%arg15 : memref<128xi32, #tpu.memory_space<vmem>>) semaphore(%arg22 : memref<!tpu.dma_semaphore, #tpu.memory_space<semaphore_mem>>)
        %dma_start3A_144 = arith.constant 0 : i32
        %dma_start3A_145 = arith.constant 0 : i32
        %dma_start3A_146 = tpu.memref_slice %arg6[%dma_start3A_144, %dma_start3A_145] : memref<200x128xf32, #tpu.memory_space<hbm>> -> memref<200x128xf32, #tpu.memory_space<hbm>>
        tpu.enqueue_indirect_dma source(%dma_start3A_146 : memref<200x128xf32, #tpu.memory_space<hbm>>) target(%arg19 : memref<128x128xf32, #tpu.memory_space<vmem>>) offsets(%arg16 : memref<128xi32, #tpu.memory_space<vmem>>) semaphore(%arg22 : memref<!tpu.dma_semaphore, #tpu.memory_space<semaphore_mem>>)
      } else {
      }
      %scan3A_126 = arith.constant 0 : i32
      scf.yield %scan3A_126 : i32
    }
    %scan3A_56 = arith.constant 40 : i32
    return
  }
}

module attributes {stable_mosaic.version = 14 : i64} {
  func.func @_tc_loss_kernel(%arg0: i32, %arg1: memref<2560x128xf32, #tpu.memory_space<vmem>>, %arg2: memref<2560x8xf32, #tpu.memory_space<vmem>>, %arg3: memref<10000x128xf32, #tpu.memory_space<vmem>>, %arg4: memref<200x128xf32, #tpu.memory_space<vmem>>, %arg5: memref<1x1xf32, #tpu.memory_space<vmem>>) attributes {dimension_semantics = [#tpu.dimension_semantics<arbitrary>], iteration_bounds = array<i64: 16>, scalar_prefetch = 0 : i64, scratch_operands = 0 : i64, tpu.core_type = #tpu.core_type<tc>, window_params = [{transform_indices = @transform_0, window_bounds = array<i64: 2560, 128>}, {transform_indices = @transform_1, window_bounds = array<i64: 2560, 8>}, {pipeline_mode = #tpu.pipeline_mode<synchronous>, transform_indices = @transform_2, window_bounds = array<i64: 10000, 128>}, {pipeline_mode = #tpu.pipeline_mode<synchronous>, transform_indices = @transform_3, window_bounds = array<i64: 200, 128>}, {pipeline_mode = #tpu.pipeline_mode<synchronous>, transform_indices = @transform_4, window_bounds = array<i64: 1, 1>}]} {
    %eq3A = arith.constant 0 : i32
    %eq3A_0 = arith.cmpi eq, %arg0, %eq3A : i32
    %convert_element_type3A = arith.extui %eq3A_0 : i1 to i32
    %cond3A = arith.constant 0 : i32
    %cond3A_1 = arith.cmpi ne, %convert_element_type3A, %cond3A : i32
    scf.if %cond3A_1 {
      %get3A_66 = arith.constant 0 : index
      %get3A_67 = arith.constant 0 : index
      %get3A_68 = vector.load %arg3[%get3A_66, %get3A_67] : memref<10000x128xf32, #tpu.memory_space<vmem>>, vector<10000x128xf32>
      %integer_pow3A = arith.mulf %get3A_68, %get3A_68 : vector<10000x128xf32>
      %reduce_sum3A_69 = vector.shape_cast %integer_pow3A : vector<10000x128xf32> to vector<1x10000x128xf32>
      %reduce_sum3A_70 = arith.constant dense<0.000000e+00> : vector<1xf32>
      %reduce_sum3A_71 = vector.multi_reduction <add>, %reduce_sum3A_69, %reduce_sum3A_70 [1, 2] : vector<1x10000x128xf32> to vector<1xf32>
      %reduce_sum3A_72 = vector.shape_cast %reduce_sum3A_71 : vector<1xf32> to vector<1x1x1xf32>
      %reduce_sum3A_73 = vector.extract %reduce_sum3A_72[0, 0, 0] : f32 from vector<1x1x1xf32>
      %div3A_74 = arith.constant 1.280000e+06 : f32
      %div3A_75 = arith.divf %reduce_sum3A_73, %div3A_74 : f32
      %get3A_76 = arith.constant 0 : index
      %get3A_77 = arith.constant 0 : index
      %get3A_78 = vector.load %arg4[%get3A_76, %get3A_77] : memref<200x128xf32, #tpu.memory_space<vmem>>, vector<200x128xf32>
      %integer_pow3A_79 = arith.mulf %get3A_78, %get3A_78 : vector<200x128xf32>
      %reduce_sum3A_80 = vector.shape_cast %integer_pow3A_79 : vector<200x128xf32> to vector<1x200x128xf32>
      %reduce_sum3A_81 = arith.constant dense<0.000000e+00> : vector<1xf32>
      %reduce_sum3A_82 = vector.multi_reduction <add>, %reduce_sum3A_80, %reduce_sum3A_81 [1, 2] : vector<1x200x128xf32> to vector<1xf32>
      %reduce_sum3A_83 = vector.shape_cast %reduce_sum3A_82 : vector<1xf32> to vector<1x1x1xf32>
      %reduce_sum3A_84 = vector.extract %reduce_sum3A_83[0, 0, 0] : f32 from vector<1x1x1xf32>
      %div3A_85 = arith.constant 2.560000e+04 : f32
      %div3A_86 = arith.divf %reduce_sum3A_84, %div3A_85 : f32
      %add3A_87 = arith.addf %div3A_75, %div3A_86 : f32
      %mul3A_88 = arith.constant 0.00999999977 : f32
      %mul3A_89 = arith.mulf %mul3A_88, %add3A_87 : f32
      %reshape3A_90 = vector.broadcast %mul3A_89 : f32 to vector<1x1xf32>
      %swap3A_91 = arith.constant 0 : index
      %swap3A_92 = arith.constant 0 : index
      %swap3A_93 = vector.load %arg5[%swap3A_91, %swap3A_92] : memref<1x1xf32, #tpu.memory_space<vmem>>, vector<1x1xf32>
      tpu.vector_store %arg5[%swap3A_91, %swap3A_92], %reshape3A_90 {strides = array<i32>} : memref<1x1xf32, #tpu.memory_space<vmem>>, vector<1x1xf32>,
    } else {
    }
    %get3A = arith.constant 0 : index
    %get3A_2 = arith.constant 0 : index
    %get3A_3 = vector.load %arg1[%get3A, %get3A_2] : memref<2560x128xf32, #tpu.memory_space<vmem>>, vector<2560x128xf32>
    %iota3A = tpu.iota {dimensions = array<i32: 0>} : vector<128x8xi32>
    %iota3A_4 = tpu.iota {dimensions = array<i32: 1>} : vector<128x8xi32>
    %jit3A = arith.constant 16 : i32
    %div3A = vector.broadcast %jit3A : i32 to vector<128x8xi32>
    %div3A_5 = arith.divsi %iota3A, %div3A : vector<128x8xi32>
    %sign3A = arith.constant 0 : i32
    %sign3A_6 = vector.broadcast %sign3A : i32 to vector<128x8xi32>
    %sign3A_7 = arith.cmpi sgt, %iota3A, %sign3A_6 : vector<128x8xi32>
    %sign3A_8 = arith.extui %sign3A_7 : vector<128x8xi1> to vector<128x8xi32>
    %sign3A_9 = arith.constant 0 : i32
    %sign3A_10 = vector.broadcast %sign3A_9 : i32 to vector<128x8xi32>
    %sign3A_11 = arith.cmpi slt, %iota3A, %sign3A_10 : vector<128x8xi32>
    %sign3A_12 = arith.extui %sign3A_11 : vector<128x8xi1> to vector<128x8xi32>
    %sign3A_13 = arith.subi %sign3A_8, %sign3A_12 : vector<128x8xi32>
    %sign3A_14 = arith.constant 0 : i32
    %sign3A_15 = arith.cmpi sgt, %jit3A, %sign3A_14 : i32
    %sign3A_16 = arith.extui %sign3A_15 : i1 to i32
    %sign3A_17 = arith.constant 0 : i32
    %sign3A_18 = arith.cmpi slt, %jit3A, %sign3A_17 : i32
    %sign3A_19 = arith.extui %sign3A_18 : i1 to i32
    %sign3A_20 = arith.subi %sign3A_16, %sign3A_19 : i32
    %ne3A = vector.broadcast %sign3A_20 : i32 to vector<128x8xi32>
    %ne3A_21 = arith.cmpi ne, %sign3A_13, %ne3A : vector<128x8xi32>
    %rem3A = vector.broadcast %jit3A : i32 to vector<128x8xi32>
    %rem3A_22 = arith.remsi %iota3A, %rem3A : vector<128x8xi32>
    %ne3A_23 = arith.constant 0 : i32
    %ne3A_24 = vector.broadcast %ne3A_23 : i32 to vector<128x8xi32>
    %ne3A_25 = arith.cmpi ne, %rem3A_22, %ne3A_24 : vector<128x8xi32>
    %and3A = arith.andi %ne3A_21, %ne3A_25 : vector<128x8xi1>
    %sub3A = arith.constant 1 : i32
    %sub3A_26 = vector.broadcast %sub3A : i32 to vector<128x8xi32>
    %sub3A_27 = arith.subi %div3A_5, %sub3A_26 : vector<128x8xi32>
    %select_n3A = arith.select %and3A, %sub3A_27, %div3A_5 : vector<128x8xi1>, vector<128x8xi32>
    %eq3A_28 = arith.cmpi eq, %select_n3A, %iota3A_4 : vector<128x8xi32>
    %convert_element_type3A_29 = arith.extui %eq3A_28 : vector<128x8xi1> to vector<128x8xi32>
    %convert_element_type3A_30 = arith.sitofp %convert_element_type3A_29 : vector<128x8xi32> to vector<128x8xf32>
    %dot_general3A = arith.constant dense<0.000000e+00> : vector<2560x8xf32>
    %dot_general3A_31 = tpu.matmul %get3A_3, %convert_element_type3A_30, %dot_general3A {dimension_numbers = #tpu.dot_dimension_numbers<[1], [0], [0], [1], [0, 0, 1, 1], [], []>, transpose_lhs_hint = false} : vector<2560x128xf32>, vector<128x8xf32>, vector<2560x8xf32> -> vector<2560x8xf32>
    %get3A_32 = arith.constant 0 : index
    %get3A_33 = arith.constant 0 : index
    %get3A_34 = vector.load %arg2[%get3A_32, %get3A_33] : memref<2560x8xf32, #tpu.memory_space<vmem>>, vector<2560x8xf32>
    %max3A = arith.constant 0.000000e+00 : f32
    %max3A_35 = vector.broadcast %max3A : f32 to vector<2560x8xf32>
    %max3A_36 = arith.maximumf %dot_general3A_31, %max3A_35 : vector<2560x8xf32>
    %mul3A = arith.mulf %dot_general3A_31, %get3A_34 : vector<2560x8xf32>
    %sub3A_37 = arith.subf %max3A_36, %mul3A : vector<2560x8xf32>
    %abs3A = math.absf %dot_general3A_31 : vector<2560x8xf32>
    %neg3A = arith.constant 0.000000e+00 : f32
    %neg3A_38 = vector.broadcast %neg3A : f32 to vector<2560x8xf32>
    %neg3A_39 = arith.subf %neg3A_38, %abs3A : vector<2560x8xf32>
    %exp3A = math.exp %neg3A_39 : vector<2560x8xf32>
    %log1p3A = math.log1p %exp3A : vector<2560x8xf32>
    %add3A = arith.addf %sub3A_37, %log1p3A : vector<2560x8xf32>
    %iota3A_40 = tpu.iota {dimensions = array<i32: 0>} : vector<2560x8xi32>
    %iota3A_41 = tpu.iota {dimensions = array<i32: 1>} : vector<2560x8xi32>
    %mul3A_42 = arith.constant 2560 : i32
    %mul3A_43 = arith.muli %arg0, %mul3A_42 : i32
    %add3A_44 = vector.broadcast %mul3A_43 : i32 to vector<2560x8xi32>
    %add3A_45 = arith.addi %add3A_44, %iota3A_40 : vector<2560x8xi32>
    %mul3A_46 = arith.constant 8 : i32
    %mul3A_47 = vector.broadcast %mul3A_46 : i32 to vector<2560x8xi32>
    %mul3A_48 = arith.muli %add3A_45, %mul3A_47 : vector<2560x8xi32>
    %add3A_49 = arith.addi %mul3A_48, %iota3A_41 : vector<2560x8xi32>
    %lt3A = arith.constant 320000 : i32
    %lt3A_50 = vector.broadcast %lt3A : i32 to vector<2560x8xi32>
    %lt3A_51 = arith.cmpi slt, %add3A_49, %lt3A_50 : vector<2560x8xi32>
    %jit3A_52 = arith.constant 0.000000e+00 : f32
    %broadcast_in_dim3A = vector.broadcast %jit3A_52 : f32 to vector<2560x8xf32>
    %select_n3A_53 = arith.select %lt3A_51, %add3A, %broadcast_in_dim3A : vector<2560x8xi1>, vector<2560x8xf32>
    %get3A_54 = arith.constant 0 : index
    %get3A_55 = arith.constant 0 : index
    %get3A_56 = vector.load %arg5[%get3A_54, %get3A_55] : memref<1x1xf32, #tpu.memory_space<vmem>>, vector<1x1xf32>
    %reduce_sum3A = vector.shape_cast %select_n3A_53 : vector<2560x8xf32> to vector<1x2560x8xf32>
    %reduce_sum3A_57 = arith.constant dense<0.000000e+00> : vector<1xf32>
    %reduce_sum3A_58 = vector.multi_reduction <add>, %reduce_sum3A, %reduce_sum3A_57 [1, 2] : vector<1x2560x8xf32> to vector<1xf32>
    %reduce_sum3A_59 = vector.shape_cast %reduce_sum3A_58 : vector<1xf32> to vector<1x1x1xf32>
    %reduce_sum3A_60 = vector.extract %reduce_sum3A_59[0, 0, 0] : f32 from vector<1x1x1xf32>
    %div3A_61 = arith.constant 3.200000e+05 : f32
    %div3A_62 = arith.divf %reduce_sum3A_60, %div3A_61 : f32
    %reshape3A = vector.broadcast %div3A_62 : f32 to vector<1x1xf32>
    %add3A_63 = arith.addf %get3A_56, %reshape3A : vector<1x1xf32>
    %swap3A = arith.constant 0 : index
    %swap3A_64 = arith.constant 0 : index
    %swap3A_65 = vector.load %arg5[%swap3A, %swap3A_64] : memref<1x1xf32, #tpu.memory_space<vmem>>, vector<1x1xf32>
    tpu.vector_store %arg5[%swap3A, %swap3A_64], %add3A_63 {strides = array<i32>} : memref<1x1xf32, #tpu.memory_space<vmem>>, vector<1x1xf32>,
    return
  }
  func.func @transform_0(%arg0: i32) -> (i32, i32) {
    %c0_i32 = arith.constant 0 : i32
    %c0_i32_0 = arith.constant 0 : i32
    return %arg0, %c0_i32 : i32, i32
  }
  func.func @transform_1(%arg0: i32) -> (i32, i32) {
    %c0_i32 = arith.constant 0 : i32
    %c0_i32_0 = arith.constant 0 : i32
    return %arg0, %c0_i32 : i32, i32
  }
  func.func @transform_2(%arg0: i32) -> (i32, i32) {
    %c0_i32 = arith.constant 0 : i32
    %c0_i32_0 = arith.constant 0 : i32
    %c0_i32_1 = arith.constant 0 : i32
    return %c0_i32, %c0_i32_0 : i32, i32
  }
  func.func @transform_3(%arg0: i32) -> (i32, i32) {
    %c0_i32 = arith.constant 0 : i32
    %c0_i32_0 = arith.constant 0 : i32
    %c0_i32_1 = arith.constant 0 : i32
    return %c0_i32, %c0_i32_0 : i32, i32
  }
  func.func @transform_4(%arg0: i32) -> (i32, i32) {
    %c0_i32 = arith.constant 0 : i32
    %c0_i32_0 = arith.constant 0 : i32
    %c0_i32_1 = arith.constant 0 : i32
    return %c0_i32, %c0_i32_0 : i32, i32
  }
}

</mosaic_0001>

<sc_bundles>
// kernel: kernel.4.cloned.1.call-start
scs
__scs_entry_jumppad:
0x0: {  	(pc) =	sbr.rel $0x88, $3  }
0x1: {  	(tag) =	ssettag $0x0;
	lr =	simm.s32 $0x1  }
0x2: {  	[smem:$0x3F9B] =	sst lr;
	_ =	strace $0xD0000000  }
0x3: {  	_ = 	snop  }
0x4: {  	_ = 	snop  }
0x5: {  	_ = 	snop  }
0x6: {  	_ = 	snop  }
0x7: {  	_ = 	snop  }
__scs_overlays_trampoline_lowered:
0x8: {  	[smem:$0x3FAA] =	sst s0  }
0x9: {  	[smem:$0x3FAB] =	sst s1  }
0xa: {  	[smem:$0x3FAC] =	sst s2  }
0xb: {  	[smem:$0x3FAD] =	sst s3  }
0xc: {  	[smem:$0x3FAE] =	sst s4  }
0xd: {  	[smem:$0x3FAF] =	sst s5  }
0xe: {  	[smem:$0x3FB0] =	sst s6  }
0xf: {  	[smem:$0x3FB1] =	sst s7  }
0x10: {  	[smem:$0x3FB2] =	sst s8  }
0x11: {  	[smem:$0x3FB3] =	sst s9;
	s0 =	simm.s32 @!p0 $0x0  }
0x12: {  	s1 =	sld [smem:$0x3F99];
	s0 =	simm.s32 @p0 $0x1  }
0x13: {  	[smem:$0x3FB4] =	sst s0;
	s0 =	simm.s32 @!p1 $0x0  }
0x14: {  	s2 =	sld [smem:$0x3F98];
	s0 =	simm.s32 @p1 $0x1  }
0x15: {  	[smem:$0x3FB5] =	sst s0;
	s0 =	simm.s32 @!p2 $0x0  }
0x16: {  	s3 =	sld [smem:$0x3FDB];
	s0 =	simm.s32 @p2 $0x1  }
0x17: {  	s4 =	simm.s32 $0x1BF5;
	[smem:$0x3FB7] =	sst s0  }
0x18: {  	s0 =	sld [smem:$0x3F9A];
	_ =	swait.ge [sflag:s4], $0x0  }
0x19: {  	s7 =	sld [smem:$0x3F9B]  }
0x1a: {  	s8 =	sadd.s32 $0xFFFFE003, lr  }
0x1b: {  	s9 =	sadd.s32 $0xFFFFFEF7, lr;
	s5 =	simm.s32 $0xFFFFFFFF;
	p2 =	slt.u32 s8, $0xFFFFF086  }
0x1c: {  	p1 =	slt.u32 s9, $0xF7A;
	s5 =	simm.s32 @!p2 $0x0  }
0x1d: {  	s5 =	simm.s32 @p1 $0x1;
	p0 =	seq.s32 s7, s2  }
0x1e: {  	s7 =	smul.u32 @!p0 $0xF7A, s2;
	p2 =	seq.s32 @!p0 s5, $0x0  }
0x1f: {  	s9 =	smul.u32 $0xF7A, s1;
	s8 =	simm.s32 @!p0 $0x1BF5;
	p2 =	por !p2, p0  }
0x20: {  	[sflag:s8] =	ssyncset.s32 @!p0 $0xFFFFF086;
	s6 =	sadd.s32 @!p0 s3, s7;
	s7 =	simm.s32 @!p0 $0x108  }
0x21: {  	s3 =	sadd.s32 s3, s9;
	s6 =	sadd.s32 @!p0 $0x88, s6;
	s7 =	simm.s32 @p2 $0x1082  }
0x22: {  	[simem:s7], [sflag:s8] =	dma.local @!p0 [hbm:s6], $0xF7A  }
0x23: {  	s9 =	sor.u32 $0xD0000000, s2;
	s6 =	simm.s32 $0x108;
	_ =	swait.ge @!p0 [sflag:s8], $0x0  }
0x24: {  	s3 =	sadd.s32 $0x88, s3;
	s6 =	simm.s32 @!p1 $0x1082;
	[sflag:s4] =	ssyncset.s32 $0xFFFFF086  }
0x25: {  	[simem:s6], [sflag:s4] =	dma.local [hbm:s3], $0xF7A  }
0x26: {  	[smem:$0x3F9B] =	sst s1;
	(tag) =	ssettag s2;
	_ =	strace s9  }
0x27: {  	s1 =	sld [smem:$0x3FAB]  }
0x28: {  	s2 =	sld [smem:$0x3FAC]  }
0x29: {  	s4 =	sld [smem:$0x3FAE]  }
0x2a: {  	p0 =	seq.s32 s5, $0x0;
	s5 =	sld [smem:$0x3FAF]  }
0x2b: {  	s6 =	sld [smem:$0x3FB0]  }
0x2c: {  	s7 =	sld [smem:$0x3FB1]  }
0x2d: {  	s3 =	simm.s32 $0x108;
	s8 =	sld [smem:$0x3FB2]  }
0x2e: {  	s3 =	simm.s32 @!p0 $0x1082;
	s9 =	sld [smem:$0x3FB3]  }
0x2f: {  	lr =	sadd.s32 s0, s3;
	s0 =	sld [smem:$0x3FAA]  }
0x30: {  	s3 =	sld [smem:$0x3FAD]  }
0x31: {  	[smem:$0x3FB6] =	sst s10  }
0x32: {  	s10 =	sld [smem:$0x3FB4];
	_ =	sdelay $0x3  }
0x33: {  	p0 =	seq.s32 s10, $0x1;
	s10 =	sld [smem:$0x3FB6];
	_ =	sdelay $0x3  }
0x34: {  	[smem:$0x3FB6] =	sst s10  }
0x35: {  	s10 =	sld [smem:$0x3FB5];
	_ =	sdelay $0x3  }
0x36: {  	p1 =	seq.s32 s10, $0x1;
	s10 =	sld [smem:$0x3FB6];
	_ =	sdelay $0x3  }
0x37: {  	[smem:$0x3FB6] =	sst s10  }
0x38: {  	s10 =	sld [smem:$0x3FB7]  }
0x39: {  	_ = 	snop;
	(pc) =	sbr.ind lr, $3  }
0x3a: {  	_ = 	snop  }
0x3b: {  	_ = 	snop  }
0x3c: {  	p2 =	seq.s32 s10, $0x1;
	s10 =	sld [smem:$0x3FB6]  }
0x3d: {  	_ =	shalt  }
0x3e: {  	_ =	shalt  }
0x3f: {  	_ =	shalt  }
0x40: {  	_ =	shalt  }
0x41: {  	_ =	shalt  }
0x42: {  	_ =	shalt  }
0x43: {  	_ =	shalt  }
0x44: {  	_ =	shalt  }
0x45: {  	_ =	shalt  }
0x46: {  	_ =	shalt  }
0x47: {  	_ =	shalt  }
0x48: {  	_ =	shalt  }
0x49: {  	_ =	shalt  }
0x4a: {  	_ =	shalt  }
0x4b: {  	_ =	shalt  }
0x4c: {  	_ =	shalt  }
0x4d: {  	_ =	shalt  }
0x4e: {  	_ =	shalt  }
0x4f: {  	_ =	shalt  }
0x50: {  	_ =	shalt  }
0x51: {  	_ =	shalt  }
0x52: {  	_ =	shalt  }
0x53: {  	_ =	shalt  }
0x54: {  	_ =	shalt  }
0x55: {  	_ =	shalt  }
0x56: {  	_ =	shalt  }
0x57: {  	_ =	shalt  }
0x58: {  	_ =	shalt  }
0x59: {  	_ =	shalt  }
0x5a: {  	_ =	shalt  }
0x5b: {  	_ =	shalt  }
0x5c: {  	_ =	shalt  }
0x5d: {  	_ =	shalt  }
0x5e: {  	_ =	shalt  }
0x5f: {  	_ =	shalt  }
0x60: {  	_ =	shalt  }
0x61: {  	_ =	shalt  }
0x62: {  	_ =	shalt  }
0x63: {  	_ =	shalt  }
0x64: {  	_ =	shalt  }
0x65: {  	_ =	shalt  }
0x66: {  	_ =	shalt  }
0x67: {  	_ =	shalt  }
0x68: {  	_ =	shalt  }
0x69: {  	_ =	shalt  }
0x6a: {  	_ =	shalt  }
0x6b: {  	_ =	shalt  }
0x6c: {  	_ =	shalt  }
0x6d: {  	_ =	shalt  }
0x6e: {  	_ =	shalt  }
0x6f: {  	_ =	shalt  }
0x70: {  	_ =	shalt  }
0x71: {  	_ =	shalt  }
0x72: {  	_ =	shalt  }
0x73: {  	_ =	shalt  }
0x74: {  	_ =	shalt  }
0x75: {  	_ =	shalt  }
0x76: {  	_ =	shalt  }
0x77: {  	_ =	shalt  }
0x78: {  	_ =	shalt  }
0x79: {  	_ =	shalt  }
0x7a: {  	_ =	shalt  }
0x7b: {  	_ =	shalt  }
0x7c: {  	_ =	shalt  }
0x7d: {  	_ =	shalt  }
0x7e: {  	_ =	shalt  }
0x7f: {  	_ =	shalt  }
0x80: {  	_ =	shalt  }
0x81: {  	_ =	shalt  }
0x82: {  	_ =	shalt  }
0x83: {  	_ =	shalt  }
0x84: {  	_ =	shalt  }
0x85: {  	_ =	shalt  }
0x86: {  	_ =	shalt  }
0x87: {  	_ =	shalt  }
.Lfunc_end0:
.L_simem_size_0:
called_computation_lowered:
.L_overlay_start_0:
0x88: {  	s2 =	sld [smem:$0x3FD9]  }
0x89: {  	s3 =	sld [smem:$0x3FFE];
	_ =	sdelay $0x1  }
0x8a: {  	s1 =	srdreg.scid  }
0x8b: {  	s0 =	sand.u32 $0x1, s1  }
0x8c: {  	s17 =	sshll.u32 s0, $0xA;
	s2 =	sadd.s32 s3, s2  }
0x8d: {  	s2 =	sadd.s32 s2, s17  }
0x8e: {  	[smem:$0x3FC2] =	sst s2  }
0x8f: {  	_ = 	snop  }
0x90: {  	s2 =	sld [smem:$0x3FC9]  }
0x91: {  	s18 =	sld [smem:$0x3FC4];
	(tm) =	ssettm $0x1  }
0x92: {  	s4 =	sld [smem:$0x3FFB];
	_ =	sdelay $0x3  }
0x93: {  	_ =	strace s4  }
0x94: {  	s4 =	sld [smem:$0x3FFC];
	_ =	sdelay $0x3  }
0x95: {  	_ =	strace s4  }
0x96: {  	s4 =	sld [smem:$0x3FFD];
	_ =	sdelay $0x3  }
0x97: {  	_ =	strace s4  }
0x98: {  	_ =	strace $0x8FFFFFFF  }
0x99: {  	s19 =	sld [smem:$0x3FDB];
	_ =	sdelay $0x1  }
0x9a: {  	s5 =	simm.s32 $_scs_section_size  }
0x9b: {  	s6 =	simm.s32 $_size__tile_overlayer_lowered;
	s7 =	simm.s32 $_tile_overlayer_lowered  }
0x9c: {  	s22 =	simm.s32 $0x1BFF;
	s21 =	sshll.u32 s7, $0x1;
	s4 =	sadd.s32 s5, s19  }
0x9d: {  	s8 =	simm.s32 $0x0;
	s20 =	sshll.u32 s6, $0x1;
	s6 =	sadd.s32 s21, s4  }
0x9e: {  	[timem:s8], [sflag:s22] =	dma.local [hbm:s6], s20  }
0x9f: {  	_ =	swait.ge [sflag:s22], s20  }
0xa0: {  	s5 =	ssub.s32 $0x0, s20;
	[sflag:s22] =	ssyncset.done $0x0  }
0xa1: {  	[sflag:s22] =	ssyncadd.s32 s5;
	_ =	sdelay $0x1  }
0xa2: {  	s23 =	simm.s32 $0x1B8B  }
0xa3: {  	_ =	swait.ge [sflag:s23], $0x1  }
0xa4: {  	[sflag:s23] =	ssyncset.done $0x0  }
0xa5: {  	s25 =	simm.s32 $0x1B8E;
	s24 =	sld [smem:$0x3FFE];
	[sflag:s23] =	ssyncadd.s32 $0xFFFFFFFF  }
0xa6: {  	s26 =	simm.s32 $execute0_lowered;
	[smem:$0x3FD2] =	sst s25  }
0xa7: {  	s6 =	sshll.u32 s26, $0x1;
	_ =	strace $0x80000046;
	[dreg:$0x1] =	wrdreg $0xFFFFFFFF  }
0xa8: {  	s28 =	simm.s32 $_size_execute0_lowered;
	s4 =	sadd.s32 s4, s6;
	[dreg:$0x0] =	wrdreg $0x0  }
0xa9: {  	s6 =	sshll.u32 s28, $0x1;
	[dreg:$0x2] =	wrdreg s4  }
0xaa: {  	[dreg:$0x3] =	wrdreg s6  }
0xab: {  	[dreg:$0x4] =	wrdreg $0xC0  }
0xac: {  	_ =	task [dreg:s8], $0x5FFFF  }
0xad: {  	[dreg:$0x1] =	wrdreg $0xFFFFFFFF  }
0xae: {  	[dreg:$0x0] =	wrdreg $0x60  }
0xaf: {  	[dreg:$0x2] =	wrdreg s2  }
0xb0: {  	[dreg:$0x3] =	wrdreg s24  }
0xb1: {  	[dreg:$0x4] =	wrdreg s18  }
0xb2: {  	[dreg:$0x5] =	wrdreg $0x9  }
0xb3: {  	_ =	task.clear_ibuf [dreg:s8], $0x6FFFF;
	_ =	strace $0x90000046  }
0xb4: {  	s29 =	simm.s32 $0x9;
	_ =	strace $0x80000048  }
0xb5: {  	_ =	swait.ge [sflag:s29], $0x1  }
0xb6: {  	[sflag:s29] =	ssyncadd.s32 $0xFFFFFFFF  }
0xb7: {  	_ =	strace $0x90000048  }
0xb8: {  	_ =	sfence  }
0xb9: {  	s30 =	sld [smem:$0x0];
	_ =	sdelay $0x2  }
0xba: {  	s31 =	sshll.u32 s1, $0xD;
	s1 =	sshrl.u32 s1, $0x2  }
0xbb: {  	s3 =	sand.u32 $0x4000, s31;
	s1 =	sadd.s32 s1, s30  }
0xbc: {  	s0 =	sor.u32 s3, s0;
	s1 =	sshll.u32 s1, $0x11  }
0xbd: {  	s0 =	sor.u32 s1, s0  }
0xbe: {  	s0 =	sadd.s32 $0x8F2B, s0  }
0xbf: {  	[sflag:s0] =	ssyncadd.remote.s32 $0x1  }
0xc0: {  	_ =	sfence.sel $0xFFFF  }
0xc1: {  	[dreg:$0x0] =	wrdreg $0xFFFFFFFF;
	(pc) =	sbr.abs _section_cstart, $3  }
0xc2: {  	[dreg:$0x1] =	wrdreg $0xFFFFFFFF  }
0xc3: {  	_ =	task.clear_ibuf [dreg:s8], $0x2FFFF;
	_ =	strace $0x9FFFFFFF  }
0xc4: {  	(tm) =	ssettm $0x7FFFFFFF  }
0xc5: {  	_ =	shalt  }
tec
execute0_lowered:
.L_overlay_start_1:
0x0: {  	(tag) =	ssettag $0x1  }
0x1: {  	s1 =	rddreg [dreg:$0x0]  }
0x2: {  	s0 =	rddreg [dreg:$0x1]  }
0x3: {  	s3 =	rddreg [dreg:$0x2];
	s2 =	srdreg.scid  }
0x4: {  	s5 =	stileid.u32;
	s4 =	simm.s32 $0x0;
	s20 =	simm.s32 $0x80  }
0x5: {  	s30 =	simm.s32 $0x4;
	s31 =	simm.s32 $0xC300;
	s28 =	simm.s32 $0x18300  }
0x6: {  	s29 =	simm.s32 $0x5;
	s21 =	simm.s32 $0x0;
	s2 =	sand.u32 $0x1, s2  }
0x7: {  	s5 =	sshll.u32 s5, $0x1;
	[smem:$0x7FF] =	sst s4;
	s6 =	sadd.s32 $0xB400, s0  }
0x8: {  	s7 =	sadd.s32 $0x15400, s0;
	s8 =	sadd.s32 $0x1F400, s0;
	s9 =	sor.u32 s2, s5  }
0x9: {  	_ =	strace $0x80000047;
	s2 =	ssub.s32 $0x2, s2;
	s10 =	smul.u32 $0x2800, s9  }
0xa: {  	s5 =	sadd.s32 $0x1400, s0;
	s22 =	sshrl.u32 s2, $0x1;
	s16 =	smul.u32 $0x140000, s9  }
0xb: {  	s0 =	ssub.s32 s2, s22;
	s22 =	simm.s32 $0xC180;
	s11 =	sshrl.u32 s10, $0x3  }
0xc: {  	s15 =	sor.u32 $0x100, s10;
	s17 =	sor.u32 $0x180, s10;
	s23 =	sadd.s32 s5, s11  }
0xd: {  	s18 =	sor.u32 $0x80, s10;
	s12 =	sadd.s32 s6, s11;
	[dreg:$0x4] =	wrdreg s23  }
0xe: {  	s24 =	sor.u32 $0x10, s11;
	s11 =	sadd.s32 s7, s11;
	[dreg:$0x5] =	wrdreg s12  }
.Ltmp0:
0xf: {  	[dreg:$0x6] =	wrdreg s11;
	s25 =	sadd.s32 s5, s24;
	(pc) =	sbr.rel .LBB2_1-.Ltmp0, $4  }
0x10: {  	s19 =	smax.u32 s0, $0x1;
	s26 =	sadd.s32 s6, s24;
	[dreg:$0x7] =	wrdreg s25  }
0x11: {  	s0 =	simm.s32 $0x10300;
	s2 =	sadd.s32 s7, s24;
	[dreg:$0x8] =	wrdreg s26  }
0x12: {  	s23 =	simm.s32 $0xC200;
	s24 =	simm.s32 $0xC280;
	[dreg:$0x9] =	wrdreg s2  }
0x13: {  	s25 =	simm.s32 $0x3;
	s2 =	simm.s32 $0x14300;
	s26 =	simm.s32 $0x1  }
.LBB2_8:
0x14: {  	s21 =	sadd.s32 $0x1, s21  }
0x15: {  	p0 =	sne.s32 s21, s19  }
.Ltmp1:
0x16: {  	_ = 	snop;
	(pc) =	sbr.rel @!p0 .LBB2_9-.Ltmp1, $1  }
0x17: {  	_ =	sdelay $0x3  }
.LBB2_1:
0x18: {  	s9 =	rddreg [dreg:$0x4]  }
0x19: {  	[tilespmem:s4], [sflag:$0x3] =	stream.linear.gather [hbm4b:s9+s4], $0x80, $0x38;
	[tilespmem:$0x1C300] =	vst v63  }
0x1a: {  	s11 =	rddreg [dreg:$0x5]  }
0x1b: {  	[tilespmem:s20], [sflag:$0x3] =	stream.linear.gather [hbm4b:s11+s4], $0x80, $0x38;
	[tilespmem:$0x1C300] =	vst v63  }
0x1c: {  	s12 =	rddreg [dreg:$0x6];
	s10 =	simm.s32 $0x100  }
0x1d: {  	[tilespmem:s10], [sflag:$0x3] =	stream.linear.gather [hbm4b:s12+s4], $0x80, $0x38;
	[tilespmem:$0x1C300] =	vst v63  }
0x1e: {  	s13 =	rddreg [dreg:$0x7]  }
0x1f: {  	[tilespmem:s22], [sflag:$0x4] =	stream.linear.gather [hbm4b:s13+s4], $0x80, $0x38;
	[tilespmem:$0x1C300] =	vst v63  }
0x20: {  	s14 =	rddreg [dreg:$0x8]  }
0x21: {  	[tilespmem:s23], [sflag:$0x4] =	stream.linear.gather [hbm4b:s14+s4], $0x80, $0x38;
	[tilespmem:$0x1C300] =	vst v63  }
0x22: {  	s11 =	rddreg [dreg:$0x9]  }
0x23: {  	[tilespmem:s24], [sflag:$0x4] =	stream.linear.gather [hbm4b:s11+s4], $0x80, $0x38;
	[tilespmem:$0x1C300] =	vst v63  }
0x24: {  	_ =	swait.ge [sflag:s25], $0x80  }
0x25: {  	[sflag:s25] =	ssyncset.done $0x0  }
0x26: {  	[sflag:s25] =	ssyncadd.s32 $0xFFFFFF80  }
0x27: {  	_ =	swait.ge [sflag:s25], $0x80  }
0x28: {  	[sflag:s25] =	ssyncset.done $0x0  }
0x29: {  	[sflag:s25] =	ssyncadd.s32 $0xFFFFFF80  }
0x2a: {  	_ =	swait.ge [sflag:s25], $0x80  }
0x2b: {  	[sflag:s25] =	ssyncset.done $0x0  }
0x2c: {  	s12 =	simm.s32 $0x180;
	[sflag:s25] =	ssyncadd.s32 $0xFFFFFF80  }
0x2d: {  	[tilespmem:s12], [sflag:$0x1] =	stream.indirect.gather [hbm4b:s1+s20], $0x80, s4, s20, $0xb8;
	[tilespmem:$0x1C300] =	vst v63  }
0x2e: {  	s13 =	simm.s32 $0x4180  }
0x2f: {  	[tilespmem:s13], [sflag:$0x1] =	stream.indirect.gather [hbm4b:s1+s20], $0x80, s20, s20, $0xb8;
	[tilespmem:$0x1C300] =	vst v63  }
0x30: {  	s14 =	simm.s32 $0x8180  }
0x31: {  	[tilespmem:s14], [sflag:$0x1] =	stream.indirect.gather [hbm4b:s3+s20], $0x80, s10, s20, $0xb8;
	[tilespmem:$0x1C300] =	vst v63  }
0x32: {  	_ =	swait.ge [sflag:s30], $0x80  }
0x33: {  	[sflag:s30] =	ssyncset.done $0x0  }
0x34: {  	[sflag:s30] =	ssyncadd.s32 $0xFFFFFF80  }
0x35: {  	_ =	swait.ge [sflag:s30], $0x80  }
0x36: {  	[sflag:s30] =	ssyncset.done $0x0  }
0x37: {  	[sflag:s30] =	ssyncadd.s32 $0xFFFFFF80  }
0x38: {  	_ =	swait.ge [sflag:s30], $0x80  }
0x39: {  	[sflag:s30] =	ssyncset.done $0x0  }
0x3a: {  	[sflag:s30] =	ssyncadd.s32 $0xFFFFFF80  }
0x3b: {  	[tilespmem:s31], [sflag:$0x2] =	stream.indirect.gather [hbm4b:s1+s20], $0x80, s22, s20, $0xb8;
	[tilespmem:$0x1C300] =	vst v63  }
0x3c: {  	_ = 	snop  }
0x3d: {  	[tilespmem:s0], [sflag:$0x2] =	stream.indirect.gather [hbm4b:s1+s20], $0x80, s23, s20, $0xb8;
	[tilespmem:$0x1C300] =	vst v63  }
0x3e: {  	s9 =	simm.s32 $0x0  }
0x3f: {  	[tilespmem:s2], [sflag:$0x2] =	stream.indirect.gather [hbm4b:s3+s20], $0x80, s24, s20, $0xb8;
	[tilespmem:$0x1C300] =	vst v63  }
.LBB2_2:
0x40: {  	_ =	swait.ge [sflag:s26], $0x4000  }
0x41: {  	[sflag:s26] =	ssyncset.done $0x0  }
0x42: {  	[sflag:s26] =	ssyncadd.s32 $0xFFFFC000  }
0x43: {  	_ =	swait.ge [sflag:s26], $0x4000  }
0x44: {  	[sflag:s26] =	ssyncset.done $0x0  }
0x45: {  	s10 =	sshll.u32 s9, $0x8;
	p0 =	seq.s32 s9, $0x27;
	[sflag:s26] =	ssyncadd.s32 $0xFFFFC000  }
0x46: {  	s11 =	sadd.s32 @!p0 s10, s15;
	_ =	swait.ge [sflag:s26], $0x4000  }
0x47: {  	s11 =	sshrl.u32 @!p0 s11, $0x3;
	[sflag:s26] =	ssyncset.done $0x0  }
0x48: {  	s13 =	simm.s32 @!p0 $0x0;
	s12 =	sadd.s32 @!p0 s5, s11;
	[sflag:s26] =	ssyncadd.s32 $0xFFFFC000  }
0x49: {  	[tilespmem:s13], [sflag:$0x3] =	stream.linear.gather @!p0 [hbm4b:s12+s13], $0x80, $0x38;
	[tilespmem:$0x1C300] =	vst v63  }
0x4a: {  	s14 =	simm.s32 @!p0 $0x80;
	s12 =	sadd.s32 @!p0 s6, s11  }
0x4b: {  	[tilespmem:s14], [sflag:$0x3] =	stream.linear.gather @!p0 [hbm4b:s12+s13], $0x80, $0x38;
	[tilespmem:$0x1C300] =	vst v63  }
0x4c: {  	s11 =	sadd.s32 @!p0 s7, s11;
	s12 =	simm.s32 @!p0 $0x100  }
0x4d: {  	[tilespmem:s12], [sflag:$0x3] =	stream.linear.gather @!p0 [hbm4b:s11+s13], $0x80, $0x38;
	[tilespmem:$0x1C300] =	vst v63  }
0x4e: {  	s11 =	simm.s32 $0x0  }
0x4f: {  	v0 =	vld [tilespmem:s11+$0x8360]  }
0x50: {  	v1 =	vld [tilespmem:s11+$0x8350]  }
0x51: {  	v2 =	vld [tilespmem:s11+$0x8340]  }
0x52: {  	v3 =	vld [tilespmem:s11+$0x8330]  }
0x53: {  	v4 =	vld [tilespmem:s11+$0x8320]  }
0x54: {  	v5 =	vld [tilespmem:s11+$0x8300]  }
0x55: {  	v6 =	vld [tilespmem:s11+$0x320]  }
0x56: {  	v7 =	vld [tilespmem:s11+$0x300]  }
0x57: {  	v8 =	vld [tilespmem:s11+$0x4300]  }
0x58: {  	s12 =	simm.s32 $0x800;
	v9 =	vld [tilespmem:s11+$0x310]  }
.LBB2_3:
0x59: {  	p1 =	sne.s32 s12, $0xF800;
	v10 =	vld [tilespmem:s11+$0x4310]  }
0x5a: {  	v11 =	vld [tilespmem:s11+$0x4320]  }
0x5b: {  	v12 =	vld [tilespmem:s11+$0x8310]  }
0x5c: {  	v13 =	vld [tilespmem:s11+$0x330]  }
0x5d: {  	v14 =	vld [tilespmem:s11+$0x4330]  }
0x5e: {  	v7 =	vmul.f32 v8, v7;
	v8 =	vmul.f32 v10, v9;
	v9 =	vld [tilespmem:s11+$0x340]  }
0x5f: {  	v6 =	vmul.f32 v11, v6;
	v10 =	vld [tilespmem:s11+$0x4340]  }
0x60: {  	v5 =	vmul.f32 v5, v7;
	v7 =	vmul.f32 v12, v8;
	v8 =	vld [tilespmem:s11+$0x350]  }
0x61: {  	v11 =	vld [tilespmem:s11+$0x4350]  }
0x62: {  	v4 =	vmul.f32 v4, v6;
	v5 =	vadd.f32 v7, v5;
	v6 =	vmul.f32 v14, v13;
	v7 =	vld [tilespmem:s11+$0x360]  }
0x63: {  	v12 =	vld [tilespmem:s11+$0x4360]  }
0x64: {  	v4 =	vadd.f32 v4, v5;
	v3 =	vmul.f32 v3, v6;
	v5 =	vmul.f32 v10, v9;
	v6 =	vld [tilespmem:s11+$0x370]  }
0x65: {  	v9 =	vld [tilespmem:s11+$0x4370]  }
0x66: {  	v10 =	vld [tilespmem:s11+$0x180];
	v3 =	vadd.f32 v3, v4;
	v2 =	vmul.f32 v2, v5;
	v4 =	vmul.f32 v11, v8  }
0x67: {  	v5 =	vld [tilespmem:s11+$0x8370]  }
0x68: {  	v8 =	vld [tilespmem:s11+$0x4180];
	v2 =	vadd.f32 v2, v3;
	v1 =	vmul.f32 v1, v4;
	v3 =	vmul.f32 v12, v7  }
0x69: {  	v4 =	vld [tilespmem:s11+$0x190]  }
0x6a: {  	v7 =	vld [tilespmem:s11+$0x4190];
	v1 =	vadd.f32 v1, v2;
	v0 =	vmul.f32 v0, v3;
	v2 =	vmul.f32 v9, v6  }
0x6b: {  	v3 =	vld [tilespmem:s11+$0x200]  }
0x6c: {  	v6 =	vld [tilespmem:s11+$0x4200];
	v0 =	vadd.f32 v0, v1;
	v1 =	vmul.f32 v5, v2  }
0x6d: {  	v2 =	vmul.f32 v8, v10;
	v5 =	vld [tilespmem:s11+$0x210]  }
0x6e: {  	v8 =	vld [tilespmem:s11+$0x4210];
	v0 =	vadd.f32 v1, v0  }
0x6f: {  	v1 =	vmul.f32 v7, v4;
	v4 =	vld [tilespmem:s11+$0x280]  }
0x70: {  	v7 =	vld [tilespmem:s11+$0x4280];
	[tilespmem:s11+$0x18480] =	vst v0  }
0x71: {  	v0 =	vmul.f32 v6, v3;
	v3 =	vld [tilespmem:s11+$0x290]  }
0x72: {  	v6 =	vld [tilespmem:s11+$0x4290]  }
0x73: {  	v9 =	vld [tilespmem:s11+$0x8180];
	v5 =	vmul.f32 v8, v5  }
0x74: {  	v8 =	vld [tilespmem:s11+$0x8190]  }
0x75: {  	v10 =	vld [tilespmem:s11+$0x1A0];
	v4 =	vmul.f32 v7, v4  }
0x76: {  	v7 =	vld [tilespmem:s11+$0x41A0]  }
0x77: {  	v11 =	vld [tilespmem:s11+$0x8200];
	v3 =	vmul.f32 v6, v3  }
0x78: {  	v2 =	vmul.f32 v9, v2;
	v6 =	vld [tilespmem:s11+$0x8210]  }
0x79: {  	v1 =	vmul.f32 v8, v1;
	v8 =	vld [tilespmem:s11+$0x220]  }
0x7a: {  	v9 =	vld [tilespmem:s11+$0x4220]  }
0x7b: {  	v1 =	vadd.f32 v1, v2;
	v2 =	vmul.f32 v7, v10;
	v7 =	vld [tilespmem:s11+$0x8280]  }
0x7c: {  	v0 =	vmul.f32 v11, v0;
	v10 =	vld [tilespmem:s11+$0x8290]  }
0x7d: {  	v5 =	vmul.f32 v6, v5;
	v6 =	vld [tilespmem:s11+$0x2A0]  }
0x7e: {  	v11 =	vld [tilespmem:s11+$0x42A0]  }
0x7f: {  	v12 =	vld [tilespmem:s11+$0x81A0];
	v0 =	vadd.f32 v5, v0;
	v5 =	vmul.f32 v9, v8  }
0x80: {  	v8 =	vld [tilespmem:s11+$0x1B0];
	v4 =	vmul.f32 v7, v4  }
0x81: {  	v7 =	vld [tilespmem:s11+$0x41B0];
	v3 =	vmul.f32 v10, v3  }
0x82: {  	v9 =	vld [tilespmem:s11+$0x8220]  }
0x83: {  	v10 =	vld [tilespmem:s11+$0x230];
	v3 =	vadd.f32 v3, v4;
	v4 =	vmul.f32 v11, v6  }
0x84: {  	v2 =	vmul.f32 v12, v2;
	v6 =	vld [tilespmem:s11+$0x4230]  }
0x85: {  	v11 =	vld [tilespmem:s11+$0x82A0]  }
0x86: {  	v1 =	vadd.f32 v2, v1;
	v2 =	vmul.f32 v7, v8;
	v7 =	vld [tilespmem:s11+$0x2B0]  }
0x87: {  	v5 =	vmul.f32 v9, v5;
	v8 =	vld [tilespmem:s11+$0x42B0]  }
0x88: {  	v9 =	vld [tilespmem:s11+$0x81B0]  }
0x89: {  	v12 =	vld [tilespmem:s11+$0x1C0];
	v0 =	vadd.f32 v5, v0;
	v5 =	vmul.f32 v6, v10  }
0x8a: {  	v6 =	vld [tilespmem:s11+$0x41C0];
	v4 =	vmul.f32 v11, v4  }
0x8b: {  	v10 =	vld [tilespmem:s11+$0x8230]  }
0x8c: {  	v11 =	vld [tilespmem:s11+$0x240];
	v3 =	vadd.f32 v4, v3;
	v4 =	vmul.f32 v8, v7  }
0x8d: {  	v2 =	vmul.f32 v9, v2;
	v7 =	vld [tilespmem:s11+$0x4240]  }
0x8e: {  	v8 =	vld [tilespmem:s11+$0x82B0]  }
0x8f: {  	v1 =	vadd.f32 v2, v1;
	v2 =	vmul.f32 v6, v12;
	v6 =	vld [tilespmem:s11+$0x2C0]  }
0x90: {  	v5 =	vmul.f32 v10, v5;
	v9 =	vld [tilespmem:s11+$0x42C0]  }
0x91: {  	v10 =	vld [tilespmem:s11+$0x81C0]  }
0x92: {  	v12 =	vld [tilespmem:s11+$0x1D0];
	v0 =	vadd.f32 v5, v0;
	v5 =	vmul.f32 v7, v11  }
0x93: {  	v7 =	vld [tilespmem:s11+$0x41D0];
	v4 =	vmul.f32 v8, v4  }
0x94: {  	v8 =	vld [tilespmem:s11+$0x8240]  }
0x95: {  	v11 =	vld [tilespmem:s11+$0x250];
	v3 =	vadd.f32 v4, v3;
	v4 =	vmul.f32 v9, v6  }
0x96: {  	v2 =	vmul.f32 v10, v2;
	v6 =	vld [tilespmem:s11+$0x4250]  }
0x97: {  	v9 =	vld [tilespmem:s11+$0x82C0]  }
0x98: {  	v1 =	vadd.f32 v2, v1;
	v2 =	vmul.f32 v7, v12;
	v7 =	vld [tilespmem:s11+$0x2D0]  }
0x99: {  	v5 =	vmul.f32 v8, v5;
	v8 =	vld [tilespmem:s11+$0x42D0]  }
0x9a: {  	v10 =	vld [tilespmem:s11+$0x81D0]  }
0x9b: {  	v12 =	vld [tilespmem:s11+$0x1E0];
	v0 =	vadd.f32 v5, v0;
	v5 =	vmul.f32 v6, v11  }
0x9c: {  	v6 =	vld [tilespmem:s11+$0x41E0];
	v4 =	vmul.f32 v9, v4  }
0x9d: {  	v9 =	vld [tilespmem:s11+$0x8250]  }
0x9e: {  	v11 =	vld [tilespmem:s11+$0x260];
	v3 =	vadd.f32 v4, v3;
	v4 =	vmul.f32 v8, v7  }
0x9f: {  	v2 =	vmul.f32 v10, v2;
	v7 =	vld [tilespmem:s11+$0x4260]  }
0xa0: {  	v8 =	vld [tilespmem:s11+$0x82D0]  }
0xa1: {  	v1 =	vadd.f32 v2, v1;
	v2 =	vmul.f32 v6, v12;
	v6 =	vld [tilespmem:s11+$0x2E0]  }
0xa2: {  	v5 =	vmul.f32 v9, v5;
	v9 =	vld [tilespmem:s11+$0x42E0]  }
0xa3: {  	v10 =	vld [tilespmem:s11+$0x81E0]  }
0xa4: {  	v12 =	vld [tilespmem:s11+$0x1F0];
	v0 =	vadd.f32 v5, v0;
	v5 =	vmul.f32 v7, v11  }
0xa5: {  	v7 =	vld [tilespmem:s11+$0x41F0];
	v4 =	vmul.f32 v8, v4  }
0xa6: {  	v8 =	vld [tilespmem:s11+$0x8260]  }
0xa7: {  	v11 =	vld [tilespmem:s11+$0x270];
	v3 =	vadd.f32 v4, v3;
	v4 =	vmul.f32 v9, v6  }
0xa8: {  	v2 =	vmul.f32 v10, v2;
	v6 =	vld [tilespmem:s11+$0x4270]  }
0xa9: {  	v9 =	vld [tilespmem:s11+$0x82E0]  }
0xaa: {  	v10 =	vadd.f32 v2, v1;
	v7 =	vmul.f32 v7, v12;
	v2 =	vld [tilespmem:s11+$0x2F0]  }
0xab: {  	v1 =	vmul.f32 v8, v5;
	v5 =	vld [tilespmem:s11+$0x42F0]  }
0xac: {  	v8 =	vld [tilespmem:s11+$0x81F0]  }
0xad: {  	v12 =	vadd.f32 v1, v0;
	v6 =	vmul.f32 v6, v11;
	v11 =	vld [tilespmem:s11+$0x8270]  }
0xae: {  	s13 =	sshra.s32 s12, $0x2;
	v4 =	vmul.f32 v9, v4;
	v9 =	vld [tilespmem:s11+$0x82F0]  }
0xaf: {  	v0 =	vld [tilespmem:s13+$0x8360]  }
0xb0: {  	v1 =	vld [tilespmem:s13+$0x8350];
	v13 =	vadd.f32 v4, v3;
	v5 =	vmul.f32 v5, v2  }
0xb1: {  	v2 =	vld [tilespmem:s13+$0x8340];
	v7 =	vmul.f32 v8, v7  }
0xb2: {  	v3 =	vld [tilespmem:s13+$0x8330];
	v6 =	vmul.f32 v11, v6  }
0xb3: {  	v4 =	vld [tilespmem:s13+$0x8320];
	v7 =	vadd.f32 v7, v10;
	v8 =	vmul.f32 v9, v5  }
.Ltmp2:
0xb4: {  	v5 =	vld [tilespmem:s13+$0x8300];
	v9 =	vadd.f32 v6, v12;
	(pc) =	sbr.rel @p1 .LBB2_3-.Ltmp2, $4  }
0xb5: {  	v6 =	vld [tilespmem:s13+$0x320];
	[tilespmem:s11+$0x18300] =	vst v7;
	v10 =	vadd.f32 v8, v13  }
0xb6: {  	v7 =	vld [tilespmem:s13+$0x300];
	[tilespmem:s11+$0x18380] =	vst v9  }
0xb7: {  	v8 =	vld [tilespmem:s13+$0x4300];
	[tilespmem:s11+$0x18400] =	vst v10;
	s11 =	smov.u32 s13  }
0xb8: {  	s12 =	sadd.s32 $0x800, s12;
	v9 =	vld [tilespmem:s11+$0x310]  }
0xb9: {  	v10 =	vld [tilespmem:s11+$0x4310]  }
0xba: {  	v11 =	vld [tilespmem:s11+$0x4320]  }
0xbb: {  	v12 =	vld [tilespmem:s11+$0x8310]  }
0xbc: {  	v13 =	vld [tilespmem:s11+$0x330]  }
0xbd: {  	v14 =	vld [tilespmem:s11+$0x4330]  }
0xbe: {  	v15 =	vld [tilespmem:s11+$0x340]  }
0xbf: {  	v59 =	vld [tilespmem:s11+$0x370]  }
0xc0: {  	v60 =	vld [tilespmem:s11+$0x8180]  }
0xc1: {  	v61 =	vld [tilespmem:s11+$0x8190]  }
0xc2: {  	v62 =	vld [tilespmem:s11+$0x1A0]  }
0xc3: {  	v63 =	vld [tilespmem:s11+$0x41A0]  }
0xc4: {  	v16 =	vld [tilespmem:s11+$0x8200]  }
0xc5: {  	v17 =	vld [tilespmem:s11+$0x8210]  }
0xc6: {  	v18 =	vld [tilespmem:s11+$0x220]  }
0xc7: {  	v19 =	vld [tilespmem:s11+$0x4220]  }
0xc8: {  	v20 =	vld [tilespmem:s11+$0x8280]  }
0xc9: {  	v21 =	vld [tilespmem:s11+$0x8290]  }
0xca: {  	v22 =	vld [tilespmem:s11+$0x2A0]  }
0xcb: {  	v23 =	vld [tilespmem:s11+$0x42A0]  }
0xcc: {  	v24 =	vld [tilespmem:s11+$0x81A0]  }
0xcd: {  	v25 =	vld [tilespmem:s11+$0x1B0]  }
0xce: {  	v26 =	vld [tilespmem:s11+$0x41B0]  }
0xcf: {  	v27 =	vld [tilespmem:s11+$0x8220]  }
0xd0: {  	v28 =	vld [tilespmem:s11+$0x230]  }
0xd1: {  	v29 =	vld [tilespmem:s11+$0x4230]  }
0xd2: {  	v30 =	vld [tilespmem:s11+$0x82A0]  }
0xd3: {  	v31 =	vld [tilespmem:s11+$0x2B0]  }
0xd4: {  	v32 =	vld [tilespmem:s11+$0x42B0]  }
0xd5: {  	v33 =	vld [tilespmem:s11+$0x81B0]  }
0xd6: {  	v34 =	vld [tilespmem:s11+$0x1C0]  }
0xd7: {  	v35 =	vld [tilespmem:s11+$0x41C0]  }
0xd8: {  	v36 =	vld [tilespmem:s11+$0x8230]  }
0xd9: {  	v37 =	vld [tilespmem:s11+$0x240]  }
0xda: {  	v38 =	vld [tilespmem:s11+$0x4240]  }
0xdb: {  	v39 =	vld [tilespmem:s11+$0x82B0]  }
0xdc: {  	v40 =	vld [tilespmem:s11+$0x2C0]  }
0xdd: {  	v41 =	vld [tilespmem:s11+$0x42C0]  }
0xde: {  	v42 =	vld [tilespmem:s11+$0x81C0]  }
0xdf: {  	v43 =	vld [tilespmem:s11+$0x1D0]  }
0xe0: {  	v44 =	vld [tilespmem:s11+$0x41D0]  }
0xe1: {  	v45 =	vld [tilespmem:s11+$0x8240]  }
0xe2: {  	v46 =	vld [tilespmem:s11+$0x250]  }
0xe3: {  	v47 =	vld [tilespmem:s11+$0x4250]  }
0xe4: {  	v48 =	vld [tilespmem:s11+$0x82C0]  }
0xe5: {  	v49 =	vld [tilespmem:s11+$0x2D0]  }
0xe6: {  	v50 =	vld [tilespmem:s11+$0x42D0]  }
0xe7: {  	v51 =	vld [tilespmem:s11+$0x81D0]  }
0xe8: {  	v52 =	vld [tilespmem:s11+$0x42E0]  }
0xe9: {  	v53 =	vld [tilespmem:s11+$0x81E0]  }
0xea: {  	v54 =	vld [tilespmem:s11+$0x1F0];
	v7 =	vmul.f32 v8, v7;
	v8 =	vmul.f32 v10, v9  }
0xeb: {  	v9 =	vld [tilespmem:s11+$0x4340];
	v6 =	vmul.f32 v11, v6  }
0xec: {  	v10 =	vld [tilespmem:s11+$0x350];
	v5 =	vmul.f32 v5, v7;
	v7 =	vmul.f32 v12, v8  }
0xed: {  	v8 =	vld [tilespmem:s11+$0x4350]  }
0xee: {  	v11 =	vld [tilespmem:s11+$0x360];
	v4 =	vmul.f32 v4, v6;
	v6 =	vmul.f32 v14, v13;
	v5 =	vadd.f32 v7, v5  }
0xef: {  	v7 =	vld [tilespmem:s11+$0x4360]  }
0xf0: {  	v3 =	vmul.f32 v3, v6;
	v6 =	vld [tilespmem:s11+$0x4370];
	v4 =	vadd.f32 v4, v5;
	v5 =	vmul.f32 v9, v15  }
0xf1: {  	v9 =	vld [tilespmem:s11+$0x180]  }
0xf2: {  	v3 =	vadd.f32 v3, v4;
	v2 =	vmul.f32 v2, v5;
	v4 =	vmul.f32 v8, v10;
	v5 =	vld [tilespmem:s11+$0x8370]  }
0xf3: {  	v8 =	vld [tilespmem:s11+$0x4180]  }
0xf4: {  	v2 =	vadd.f32 v2, v3;
	v1 =	vmul.f32 v1, v4;
	v3 =	vmul.f32 v7, v11;
	v4 =	vld [tilespmem:s11+$0x190]  }
0xf5: {  	v7 =	vld [tilespmem:s11+$0x4190]  }
0xf6: {  	v1 =	vadd.f32 v1, v2;
	v0 =	vmul.f32 v0, v3;
	v2 =	vmul.f32 v6, v59;
	v3 =	vld [tilespmem:s11+$0x200]  }
0xf7: {  	v6 =	vld [tilespmem:s11+$0x4200]  }
0xf8: {  	v0 =	vadd.f32 v0, v1;
	v1 =	vmul.f32 v5, v2;
	v2 =	vld [tilespmem:s11+$0x210]  }
0xf9: {  	v5 =	vld [tilespmem:s11+$0x4210]  }
0xfa: {  	v10 =	vld [tilespmem:s11+$0x4280];
	v8 =	vmul.f32 v8, v9  }
0xfb: {  	v19 =	vmul.f32 v19, v18;
	v4 =	vmul.f32 v7, v4;
	v0 =	vadd.f32 v1, v0;
	v1 =	vld [tilespmem:s11+$0x280]  }
0xfc: {  	v56 =	vmul.f32 v35, v34;
	v11 =	vld [tilespmem:s11+$0x4290];
	v8 =	vmul.f32 v60, v8  }
0xfd: {  	v3 =	vmul.f32 v6, v3;
	v4 =	vmul.f32 v61, v4;
	[tilespmem:s11+$0x18480] =	vst v0;
	v0 =	vld [tilespmem:s11+$0x290]  }
0xfe: {  	v55 =	vld [tilespmem:s11+$0x41F0];
	v12 =	vmul.f32 v27, v19;
	v2 =	vmul.f32 v5, v2  }
0xff: {  	v7 =	vld [tilespmem:s11+$0x1E0];
	v3 =	vmul.f32 v16, v3;
	v4 =	vadd.f32 v4, v8;
	v8 =	vmul.f32 v23, v22  }
0x100: {  	v5 =	vld [tilespmem:s11+$0x41E0];
	v1 =	vmul.f32 v10, v1;
	v10 =	vmul.f32 v63, v62  }
0x101: {  	v57 =	vld [tilespmem:s11+$0x8260];
	v2 =	vmul.f32 v17, v2;
	v8 =	vmul.f32 v30, v8  }
0x102: {  	v58 =	vld [tilespmem:s11+$0x270];
	v62 =	vmul.f32 v50, v49;
	v0 =	vmul.f32 v11, v0  }
0x103: {  	v13 =	vld [tilespmem:s11+$0x82D0];
	v1 =	vmul.f32 v20, v1;
	v10 =	vmul.f32 v24, v10  }
0x104: {  	v14 =	vld [tilespmem:s11+$0x2E0];
	v2 =	vadd.f32 v2, v3;
	v3 =	vmul.f32 v26, v25;
	v0 =	vmul.f32 v21, v0  }
0x105: {  	v59 =	vld [tilespmem:s11+$0x4270];
	v5 =	vmul.f32 v5, v7;
	v4 =	vadd.f32 v10, v4;
	v10 =	vmul.f32 v32, v31  }
0x106: {  	v9 =	vld [tilespmem:s11+$0x260];
	v3 =	vmul.f32 v33, v3;
	v0 =	vadd.f32 v0, v1;
	v1 =	vmul.f32 v29, v28  }
0x107: {  	v6 =	vld [tilespmem:s11+$0x8250];
	v2 =	vadd.f32 v12, v2;
	v12 =	vmul.f32 v42, v56;
	v5 =	vmul.f32 v53, v5  }
0x108: {  	v11 =	vld [tilespmem:s11+$0x4260];
	v1 =	vmul.f32 v36, v1;
	v0 =	vadd.f32 v8, v0;
	v8 =	vmul.f32 v38, v37  }
0x109: {  	v60 =	vld [tilespmem:s11+$0x82E0];
	v10 =	vmul.f32 v39, v10;
	v3 =	vadd.f32 v3, v4;
	v4 =	vmul.f32 v41, v40  }
0x10a: {  	v61 =	vld [tilespmem:s11+$0x2F0];
	v1 =	vadd.f32 v1, v2;
	v2 =	vmul.f32 v44, v43;
	v8 =	vmul.f32 v45, v8  }
0x10b: {  	v63 =	vld [tilespmem:s11+$0x42F0];
	v4 =	vmul.f32 v48, v4;
	v0 =	vadd.f32 v10, v0;
	v10 =	vmul.f32 v47, v46  }
0x10c: {  	v7 =	vld [tilespmem:s11+$0x81F0];
	v3 =	vadd.f32 v12, v3;
	v2 =	vmul.f32 v51, v2;
	v1 =	vadd.f32 v8, v1  }
0x10d: {  	v6 =	vmul.f32 v6, v10;
	v0 =	vadd.f32 v4, v0;
	v4 =	vmul.f32 v11, v9;
	v9 =	vld [tilespmem:s11+$0x8270]  }
0x10e: {  	v8 =	vmul.f32 v13, v62;
	v10 =	vld [tilespmem:s11+$0x82F0];
	v2 =	vadd.f32 v2, v3;
	v3 =	vmul.f32 v52, v14  }
0x10f: {  	v1 =	vadd.f32 v6, v1;
	v6 =	vmul.f32 v55, v54;
	v4 =	vmul.f32 v57, v4  }
0x110: {  	v0 =	vadd.f32 v8, v0;
	v8 =	vmul.f32 v59, v58;
	v3 =	vmul.f32 v60, v3  }
0x111: {  	v2 =	vadd.f32 v5, v2;
	v5 =	vmul.f32 v63, v61;
	v6 =	vmul.f32 v7, v6  }
0x112: {  	v1 =	vadd.f32 v4, v1;
	v4 =	vmul.f32 v9, v8  }
0x113: {  	v0 =	vadd.f32 v3, v0;
	v2 =	vadd.f32 v6, v2;
	v3 =	vmul.f32 v10, v5  }
0x114: {  	s12 =	sshll.u32 s9, $0xF;
	v1 =	vadd.f32 v4, v1  }
0x115: {  	s12 =	sadd.s32 s16, s12;
	[tilespmem:s11+$0x18300] =	vst v2;
	v0 =	vadd.f32 v3, v0  }
0x116: {  	s12 =	sshrl.u32 s12, $0x3;
	[tilespmem:s11+$0x18380] =	vst v1  }
0x117: {  	s14 =	sadd.s32 s8, s12;
	[tilespmem:s11+$0x18400] =	vst v0  }
0x118: {  	[hbm4b:s14+s4] =	stream.linear.scatter [tilespmem:s28], [sflag:$0x5], $0x4000, $0x38;
	[tilespmem:$0x1C300] =	vst v63  }
0x119: {  	_ =	swait.ge [sflag:s29], $0x4000  }
0x11a: {  	[sflag:s29] =	ssyncset.done $0x0  }
0x11b: {  	s11 =	simm.s32 @p0 $0x2;
	[sflag:s29] =	ssyncadd.s32 $0xFFFFC000  }
0x11c: {  	_ =	swait.ge @p0 [sflag:s11], $0x4000  }
0x11d: {  	[sflag:s11] =	ssyncset.done @p0 $0x0  }
0x11e: {  	[sflag:s11] =	ssyncadd.s32 @p0 $0xFFFFC000  }
0x11f: {  	_ =	swait.ge @p0 [sflag:s11], $0x4000  }
0x120: {  	[sflag:s11] =	ssyncset.done @p0 $0x0  }
0x121: {  	[sflag:s11] =	ssyncadd.s32 @p0 $0xFFFFC000  }
0x122: {  	_ =	swait.ge @p0 [sflag:s11], $0x4000  }
0x123: {  	[sflag:s11] =	ssyncset.done @p0 $0x0  }
0x124: {  	[sflag:s11] =	ssyncadd.s32 @p0 $0xFFFFC000;
	s11 =	simm.s32 @!p0 $0x3  }
0x125: {  	_ =	swait.ge @!p0 [sflag:s11], $0x80  }
0x126: {  	[sflag:s11] =	ssyncset.done @!p0 $0x0  }
0x127: {  	[sflag:s11] =	ssyncadd.s32 @!p0 $0xFFFFFF80  }
0x128: {  	_ =	swait.ge @!p0 [sflag:s11], $0x80  }
0x129: {  	[sflag:s11] =	ssyncset.done @!p0 $0x0  }
0x12a: {  	[sflag:s11] =	ssyncadd.s32 @!p0 $0xFFFFFF80  }
0x12b: {  	_ =	swait.ge @!p0 [sflag:s11], $0x80  }
0x12c: {  	s13 =	simm.s32 @!p0 $0x180;
	[sflag:s11] =	ssyncset.done @!p0 $0x0  }
0x12d: {  	s12 =	simm.s32 @!p0 $0x0;
	[sflag:s11] =	ssyncadd.s32 @!p0 $0xFFFFFF80;
	s11 =	simm.s32 @!p0 $0x80  }
0x12e: {  	[tilespmem:s13], [sflag:$0x1] =	stream.indirect.gather @!p0 [hbm4b:s1+s11], $0x80, s12, s11, $0xb8;
	[tilespmem:$0x1C300] =	vst v63  }
0x12f: {  	s13 =	simm.s32 @!p0 $0x4180  }
0x130: {  	[tilespmem:s13], [sflag:$0x1] =	stream.indirect.gather @!p0 [hbm4b:s1+s11], $0x80, s11, s11, $0xb8;
	[tilespmem:$0x1C300] =	vst v63  }
0x131: {  	s14 =	simm.s32 @!p0 $0x8180;
	s13 =	simm.s32 @!p0 $0x100  }
0x132: {  	[tilespmem:s14], [sflag:$0x1] =	stream.indirect.gather @!p0 [hbm4b:s3+s11], $0x80, s13, s11, $0xb8;
	[tilespmem:$0x1C300] =	vst v63  }
0x133: {  	s11 =	simm.s32 @!p0 $0x2  }
0x134: {  	_ =	swait.ge @!p0 [sflag:s11], $0x4000  }
0x135: {  	[sflag:s11] =	ssyncset.done @!p0 $0x0  }
0x136: {  	[sflag:s11] =	ssyncadd.s32 @!p0 $0xFFFFC000  }
0x137: {  	_ =	swait.ge @!p0 [sflag:s11], $0x4000  }
0x138: {  	[sflag:s11] =	ssyncset.done @!p0 $0x0  }
0x139: {  	[sflag:s11] =	ssyncadd.s32 @!p0 $0xFFFFC000  }
0x13a: {  	s13 =	sadd.s32 @!p0 s10, s17;
	_ =	swait.ge @!p0 [sflag:s11], $0x4000  }
0x13b: {  	s13 =	sshrl.u32 @!p0 s13, $0x3;
	[sflag:s11] =	ssyncset.done @!p0 $0x0  }
0x13c: {  	s14 =	simm.s32 @!p0 $0xC180;
	[sflag:s11] =	ssyncadd.s32 @!p0 $0xFFFFC000;
	s11 =	sadd.s32 @!p0 s5, s13  }
0x13d: {  	[tilespmem:s14], [sflag:$0x4] =	stream.linear.gather @!p0 [hbm4b:s11+s12], $0x80, $0x38;
	[tilespmem:$0x1C300] =	vst v63  }
0x13e: {  	s11 =	sadd.s32 @!p0 s6, s13;
	s14 =	simm.s32 @!p0 $0xC200  }
0x13f: {  	[tilespmem:s14], [sflag:$0x4] =	stream.linear.gather @!p0 [hbm4b:s11+s12], $0x80, $0x38;
	[tilespmem:$0x1C300] =	vst v63  }
0x140: {  	s11 =	sadd.s32 @!p0 s7, s13;
	s13 =	simm.s32 @!p0 $0xC280  }
0x141: {  	[tilespmem:s13], [sflag:$0x4] =	stream.linear.gather @!p0 [hbm4b:s11+s12], $0x80, $0x38;
	[tilespmem:$0x1C300] =	vst v63  }
0x142: {  	s11 =	simm.s32 $0x0  }
0x143: {  	v0 =	vld [tilespmem:s11+$0x144E0]  }
0x144: {  	v1 =	vld [tilespmem:s11+$0x144D0]  }
0x145: {  	v2 =	vld [tilespmem:s11+$0x144C0]  }
0x146: {  	v3 =	vld [tilespmem:s11+$0x144B0]  }
0x147: {  	v4 =	vld [tilespmem:s11+$0x144A0]  }
0x148: {  	v5 =	vld [tilespmem:s11+$0x14480]  }
0x149: {  	v6 =	vld [tilespmem:s11+$0xC4A0]  }
0x14a: {  	v7 =	vld [tilespmem:s11+$0xC480]  }
0x14b: {  	v8 =	vld [tilespmem:s11+$0x10480]  }
0x14c: {  	s12 =	simm.s32 $0x800;
	v9 =	vld [tilespmem:s11+$0xC490]  }
.LBB2_5:
0x14d: {  	p1 =	sne.s32 s12, $0xF800;
	v10 =	vld [tilespmem:s11+$0x10490]  }
0x14e: {  	v11 =	vld [tilespmem:s11+$0x104A0]  }
0x14f: {  	v12 =	vld [tilespmem:s11+$0x14490]  }
0x150: {  	v13 =	vld [tilespmem:s11+$0xC4B0]  }
0x151: {  	v14 =	vld [tilespmem:s11+$0x104B0]  }
0x152: {  	v7 =	vmul.f32 v8, v7;
	v8 =	vmul.f32 v10, v9;
	v9 =	vld [tilespmem:s11+$0xC4C0]  }
0x153: {  	v6 =	vmul.f32 v11, v6;
	v10 =	vld [tilespmem:s11+$0x104C0]  }
0x154: {  	v5 =	vmul.f32 v5, v7;
	v7 =	vmul.f32 v12, v8;
	v8 =	vld [tilespmem:s11+$0xC4D0]  }
0x155: {  	v11 =	vld [tilespmem:s11+$0x104D0]  }
0x156: {  	v4 =	vmul.f32 v4, v6;
	v5 =	vadd.f32 v7, v5;
	v6 =	vmul.f32 v14, v13;
	v7 =	vld [tilespmem:s11+$0xC4E0]  }
0x157: {  	v12 =	vld [tilespmem:s11+$0x104E0]  }
0x158: {  	v4 =	vadd.f32 v4, v5;
	v3 =	vmul.f32 v3, v6;
	v5 =	vmul.f32 v10, v9;
	v6 =	vld [tilespmem:s11+$0xC4F0]  }
0x159: {  	v9 =	vld [tilespmem:s11+$0x104F0]  }
0x15a: {  	v10 =	vld [tilespmem:s11+$0xC300];
	v3 =	vadd.f32 v3, v4;
	v2 =	vmul.f32 v2, v5;
	v4 =	vmul.f32 v11, v8  }
0x15b: {  	v5 =	vld [tilespmem:s11+$0x144F0]  }
0x15c: {  	v8 =	vld [tilespmem:s11+$0x10300];
	v2 =	vadd.f32 v2, v3;
	v1 =	vmul.f32 v1, v4;
	v3 =	vmul.f32 v12, v7  }
0x15d: {  	v4 =	vld [tilespmem:s11+$0xC310]  }
0x15e: {  	v7 =	vld [tilespmem:s11+$0x10310];
	v1 =	vadd.f32 v1, v2;
	v0 =	vmul.f32 v0, v3;
	v2 =	vmul.f32 v9, v6  }
0x15f: {  	v3 =	vld [tilespmem:s11+$0xC380]  }
0x160: {  	v6 =	vld [tilespmem:s11+$0x10380];
	v0 =	vadd.f32 v0, v1;
	v1 =	vmul.f32 v5, v2  }
0x161: {  	v2 =	vmul.f32 v8, v10;
	v5 =	vld [tilespmem:s11+$0xC390]  }
0x162: {  	v8 =	vld [tilespmem:s11+$0x10390];
	v0 =	vadd.f32 v1, v0  }
0x163: {  	v1 =	vmul.f32 v7, v4;
	v4 =	vld [tilespmem:s11+$0xC400]  }
0x164: {  	v7 =	vld [tilespmem:s11+$0x10400];
	[tilespmem:s11+$0x18480] =	vst v0  }
0x165: {  	v0 =	vmul.f32 v6, v3;
	v3 =	vld [tilespmem:s11+$0xC410]  }
0x166: {  	v6 =	vld [tilespmem:s11+$0x10410]  }
0x167: {  	v9 =	vld [tilespmem:s11+$0x14300];
	v5 =	vmul.f32 v8, v5  }
0x168: {  	v8 =	vld [tilespmem:s11+$0x14310]  }
0x169: {  	v10 =	vld [tilespmem:s11+$0xC320];
	v4 =	vmul.f32 v7, v4  }
0x16a: {  	v7 =	vld [tilespmem:s11+$0x10320]  }
0x16b: {  	v11 =	vld [tilespmem:s11+$0x14380];
	v3 =	vmul.f32 v6, v3  }
0x16c: {  	v2 =	vmul.f32 v9, v2;
	v6 =	vld [tilespmem:s11+$0x14390]  }
0x16d: {  	v1 =	vmul.f32 v8, v1;
	v8 =	vld [tilespmem:s11+$0xC3A0]  }
0x16e: {  	v9 =	vld [tilespmem:s11+$0x103A0]  }
0x16f: {  	v1 =	vadd.f32 v1, v2;
	v2 =	vmul.f32 v7, v10;
	v7 =	vld [tilespmem:s11+$0x14400]  }
0x170: {  	v0 =	vmul.f32 v11, v0;
	v10 =	vld [tilespmem:s11+$0x14410]  }
0x171: {  	v5 =	vmul.f32 v6, v5;
	v6 =	vld [tilespmem:s11+$0xC420]  }
0x172: {  	v11 =	vld [tilespmem:s11+$0x10420]  }
0x173: {  	v12 =	vld [tilespmem:s11+$0x14320];
	v0 =	vadd.f32 v5, v0;
	v5 =	vmul.f32 v9, v8  }
0x174: {  	v8 =	vld [tilespmem:s11+$0xC330];
	v4 =	vmul.f32 v7, v4  }
0x175: {  	v7 =	vld [tilespmem:s11+$0x10330];
	v3 =	vmul.f32 v10, v3  }
0x176: {  	v9 =	vld [tilespmem:s11+$0x143A0]  }
0x177: {  	v10 =	vld [tilespmem:s11+$0xC3B0];
	v3 =	vadd.f32 v3, v4;
	v4 =	vmul.f32 v11, v6  }
0x178: {  	v2 =	vmul.f32 v12, v2;
	v6 =	vld [tilespmem:s11+$0x103B0]  }
0x179: {  	v11 =	vld [tilespmem:s11+$0x14420]  }
0x17a: {  	v1 =	vadd.f32 v2, v1;
	v2 =	vmul.f32 v7, v8;
	v7 =	vld [tilespmem:s11+$0xC430]  }
0x17b: {  	v5 =	vmul.f32 v9, v5;
	v8 =	vld [tilespmem:s11+$0x10430]  }
0x17c: {  	v9 =	vld [tilespmem:s11+$0x14330]  }
0x17d: {  	v12 =	vld [tilespmem:s11+$0xC340];
	v0 =	vadd.f32 v5, v0;
	v5 =	vmul.f32 v6, v10  }
0x17e: {  	v6 =	vld [tilespmem:s11+$0x10340];
	v4 =	vmul.f32 v11, v4  }
0x17f: {  	v10 =	vld [tilespmem:s11+$0x143B0]  }
0x180: {  	v11 =	vld [tilespmem:s11+$0xC3C0];
	v3 =	vadd.f32 v4, v3;
	v4 =	vmul.f32 v8, v7  }
0x181: {  	v2 =	vmul.f32 v9, v2;
	v7 =	vld [tilespmem:s11+$0x103C0]  }
0x182: {  	v8 =	vld [tilespmem:s11+$0x14430]  }
0x183: {  	v1 =	vadd.f32 v2, v1;
	v2 =	vmul.f32 v6, v12;
	v6 =	vld [tilespmem:s11+$0xC440]  }
0x184: {  	v5 =	vmul.f32 v10, v5;
	v9 =	vld [tilespmem:s11+$0x10440]  }
0x185: {  	v10 =	vld [tilespmem:s11+$0x14340]  }
0x186: {  	v12 =	vld [tilespmem:s11+$0xC350];
	v0 =	vadd.f32 v5, v0;
	v5 =	vmul.f32 v7, v11  }
0x187: {  	v7 =	vld [tilespmem:s11+$0x10350];
	v4 =	vmul.f32 v8, v4  }
0x188: {  	v8 =	vld [tilespmem:s11+$0x143C0]  }
0x189: {  	v11 =	vld [tilespmem:s11+$0xC3D0];
	v3 =	vadd.f32 v4, v3;
	v4 =	vmul.f32 v9, v6  }
0x18a: {  	v2 =	vmul.f32 v10, v2;
	v6 =	vld [tilespmem:s11+$0x103D0]  }
0x18b: {  	v9 =	vld [tilespmem:s11+$0x14440]  }
0x18c: {  	v1 =	vadd.f32 v2, v1;
	v2 =	vmul.f32 v7, v12;
	v7 =	vld [tilespmem:s11+$0xC450]  }
0x18d: {  	v5 =	vmul.f32 v8, v5;
	v8 =	vld [tilespmem:s11+$0x10450]  }
0x18e: {  	v10 =	vld [tilespmem:s11+$0x14350]  }
0x18f: {  	v12 =	vld [tilespmem:s11+$0xC360];
	v0 =	vadd.f32 v5, v0;
	v5 =	vmul.f32 v6, v11  }
0x190: {  	v6 =	vld [tilespmem:s11+$0x10360];
	v4 =	vmul.f32 v9, v4  }
0x191: {  	v9 =	vld [tilespmem:s11+$0x143D0]  }
0x192: {  	v11 =	vld [tilespmem:s11+$0xC3E0];
	v3 =	vadd.f32 v4, v3;
	v4 =	vmul.f32 v8, v7  }
0x193: {  	v2 =	vmul.f32 v10, v2;
	v7 =	vld [tilespmem:s11+$0x103E0]  }
0x194: {  	v8 =	vld [tilespmem:s11+$0x14450]  }
0x195: {  	v1 =	vadd.f32 v2, v1;
	v2 =	vmul.f32 v6, v12;
	v6 =	vld [tilespmem:s11+$0xC460]  }
0x196: {  	v5 =	vmul.f32 v9, v5;
	v9 =	vld [tilespmem:s11+$0x10460]  }
0x197: {  	v10 =	vld [tilespmem:s11+$0x14360]  }
0x198: {  	v12 =	vld [tilespmem:s11+$0xC370];
	v0 =	vadd.f32 v5, v0;
	v5 =	vmul.f32 v7, v11  }
0x199: {  	v7 =	vld [tilespmem:s11+$0x10370];
	v4 =	vmul.f32 v8, v4  }
0x19a: {  	v8 =	vld [tilespmem:s11+$0x143E0]  }
0x19b: {  	v11 =	vld [tilespmem:s11+$0xC3F0];
	v3 =	vadd.f32 v4, v3;
	v4 =	vmul.f32 v9, v6  }
0x19c: {  	v2 =	vmul.f32 v10, v2;
	v6 =	vld [tilespmem:s11+$0x103F0]  }
0x19d: {  	v9 =	vld [tilespmem:s11+$0x14460]  }
0x19e: {  	v10 =	vadd.f32 v2, v1;
	v7 =	vmul.f32 v7, v12;
	v2 =	vld [tilespmem:s11+$0xC470]  }
0x19f: {  	v1 =	vmul.f32 v8, v5;
	v5 =	vld [tilespmem:s11+$0x10470]  }
0x1a0: {  	v8 =	vld [tilespmem:s11+$0x14370]  }
0x1a1: {  	v12 =	vadd.f32 v1, v0;
	v6 =	vmul.f32 v6, v11;
	v11 =	vld [tilespmem:s11+$0x143F0]  }
0x1a2: {  	s13 =	sshra.s32 s12, $0x2;
	v4 =	vmul.f32 v9, v4;
	v9 =	vld [tilespmem:s11+$0x14470]  }
0x1a3: {  	v0 =	vld [tilespmem:s13+$0x144E0]  }
0x1a4: {  	v1 =	vld [tilespmem:s13+$0x144D0];
	v13 =	vadd.f32 v4, v3;
	v5 =	vmul.f32 v5, v2  }
0x1a5: {  	v2 =	vld [tilespmem:s13+$0x144C0];
	v7 =	vmul.f32 v8, v7  }
0x1a6: {  	v3 =	vld [tilespmem:s13+$0x144B0];
	v6 =	vmul.f32 v11, v6  }
0x1a7: {  	v4 =	vld [tilespmem:s13+$0x144A0];
	v7 =	vadd.f32 v7, v10;
	v8 =	vmul.f32 v9, v5  }
.Ltmp3:
0x1a8: {  	v5 =	vld [tilespmem:s13+$0x14480];
	v9 =	vadd.f32 v6, v12;
	(pc) =	sbr.rel @p1 .LBB2_5-.Ltmp3, $4  }
0x1a9: {  	v6 =	vld [tilespmem:s13+$0xC4A0];
	[tilespmem:s11+$0x18300] =	vst v7;
	v10 =	vadd.f32 v8, v13  }
0x1aa: {  	v7 =	vld [tilespmem:s13+$0xC480];
	[tilespmem:s11+$0x18380] =	vst v9  }
0x1ab: {  	v8 =	vld [tilespmem:s13+$0x10480];
	[tilespmem:s11+$0x18400] =	vst v10;
	s11 =	smov.u32 s13  }
0x1ac: {  	s12 =	sadd.s32 $0x800, s12;
	v9 =	vld [tilespmem:s11+$0xC490]  }
0x1ad: {  	v10 =	vld [tilespmem:s11+$0x10490]  }
0x1ae: {  	v11 =	vld [tilespmem:s11+$0x104A0]  }
0x1af: {  	v12 =	vld [tilespmem:s11+$0x14490]  }
0x1b0: {  	v13 =	vld [tilespmem:s11+$0xC4B0]  }
0x1b1: {  	v14 =	vld [tilespmem:s11+$0x104B0]  }
0x1b2: {  	v15 =	vld [tilespmem:s11+$0xC4C0]  }
0x1b3: {  	v39 =	vld [tilespmem:s11+$0x104C0]  }
0x1b4: {  	v40 =	vld [tilespmem:s11+$0xC4D0]  }
0x1b5: {  	v42 =	vld [tilespmem:s11+$0x104D0]  }
0x1b6: {  	v43 =	vld [tilespmem:s11+$0xC4E0]  }
0x1b7: {  	v45 =	vld [tilespmem:s11+$0x104E0]  }
0x1b8: {  	v46 =	vld [tilespmem:s11+$0xC4F0]  }
0x1b9: {  	v48 =	vld [tilespmem:s11+$0x104F0]  }
0x1ba: {  	v50 =	vld [tilespmem:s11+$0x144F0]  }
0x1bb: {  	v54 =	vld [tilespmem:s11+$0xC390]  }
0x1bc: {  	v55 =	vld [tilespmem:s11+$0x10390]  }
0x1bd: {  	v56 =	vld [tilespmem:s11+$0xC400]  }
0x1be: {  	v57 =	vld [tilespmem:s11+$0x10400]  }
0x1bf: {  	v58 =	vld [tilespmem:s11+$0xC410]  }
0x1c0: {  	v59 =	vld [tilespmem:s11+$0x10410]  }
0x1c1: {  	v60 =	vld [tilespmem:s11+$0x14300]  }
0x1c2: {  	v61 =	vld [tilespmem:s11+$0x14310]  }
0x1c3: {  	v62 =	vld [tilespmem:s11+$0xC320]  }
0x1c4: {  	v63 =	vld [tilespmem:s11+$0x10320]  }
0x1c5: {  	v16 =	vld [tilespmem:s11+$0x14380]  }
0x1c6: {  	v17 =	vld [tilespmem:s11+$0x14390]  }
0x1c7: {  	v18 =	vld [tilespmem:s11+$0xC3A0]  }
0x1c8: {  	v19 =	vld [tilespmem:s11+$0x103A0]  }
0x1c9: {  	v20 =	vld [tilespmem:s11+$0x14400]  }
0x1ca: {  	v21 =	vld [tilespmem:s11+$0x14410]  }
0x1cb: {  	v22 =	vld [tilespmem:s11+$0xC420]  }
0x1cc: {  	v23 =	vld [tilespmem:s11+$0x10420]  }
0x1cd: {  	v24 =	vld [tilespmem:s11+$0x14320]  }
0x1ce: {  	v25 =	vld [tilespmem:s11+$0xC330]  }
0x1cf: {  	v26 =	vld [tilespmem:s11+$0x10330]  }
0x1d0: {  	v27 =	vld [tilespmem:s11+$0x143A0]  }
0x1d1: {  	v28 =	vld [tilespmem:s11+$0xC3B0]  }
0x1d2: {  	v29 =	vld [tilespmem:s11+$0x103B0]  }
0x1d3: {  	v30 =	vld [tilespmem:s11+$0x14420]  }
0x1d4: {  	v31 =	vld [tilespmem:s11+$0xC430]  }
0x1d5: {  	v32 =	vld [tilespmem:s11+$0x10430]  }
0x1d6: {  	v33 =	vld [tilespmem:s11+$0x14330]  }
0x1d7: {  	v34 =	vld [tilespmem:s11+$0xC340]  }
0x1d8: {  	v35 =	vld [tilespmem:s11+$0x10340]  }
0x1d9: {  	v36 =	vld [tilespmem:s11+$0x143B0]  }
0x1da: {  	v37 =	vld [tilespmem:s11+$0xC3C0]  }
0x1db: {  	v7 =	vmul.f32 v8, v7;
	v8 =	vld [tilespmem:s11+$0x10300]  }
0x1dc: {  	v38 =	vmul.f32 v10, v9;
	v9 =	vld [tilespmem:s11+$0xC300]  }
0x1dd: {  	v5 =	vmul.f32 v5, v7;
	v7 =	vld [tilespmem:s11+$0x10310]  }
0x1de: {  	v47 =	vmul.f32 v39, v15;
	v39 =	vld [tilespmem:s11+$0x14430]  }
0x1df: {  	v49 =	vmul.f32 v42, v40;
	v40 =	vld [tilespmem:s11+$0xC440]  }
0x1e0: {  	v42 =	vld [tilespmem:s11+$0x14340]  }
0x1e1: {  	v51 =	vmul.f32 v45, v43;
	v43 =	vld [tilespmem:s11+$0xC350]  }
0x1e2: {  	v45 =	vld [tilespmem:s11+$0x143C0]  }
0x1e3: {  	v6 =	vmul.f32 v11, v6;
	v52 =	vmul.f32 v48, v46;
	v46 =	vld [tilespmem:s11+$0xC3D0]  }
0x1e4: {  	v48 =	vld [tilespmem:s11+$0x14440]  }
0x1e5: {  	v44 =	vmul.f32 v14, v13;
	v4 =	vmul.f32 v4, v6;
	v6 =	vld [tilespmem:s11+$0x10380]  }
0x1e6: {  	v41 =	vmul.f32 v12, v38;
	v38 =	vld [tilespmem:s11+$0x103C0]  }
0x1e7: {  	v3 =	vmul.f32 v3, v44;
	v44 =	vld [tilespmem:s11+$0x10350]  }
0x1e8: {  	v2 =	vmul.f32 v2, v47;
	v47 =	vld [tilespmem:s11+$0x103D0]  }
0x1e9: {  	v1 =	vmul.f32 v1, v49;
	v49 =	vld [tilespmem:s11+$0xC450];
	v5 =	vadd.f32 v41, v5  }
0x1ea: {  	v53 =	vmul.f32 v50, v52;
	v50 =	vld [tilespmem:s11+$0x10450]  }
0x1eb: {  	v0 =	vmul.f32 v0, v51;
	v51 =	vld [tilespmem:s11+$0x14350];
	v4 =	vadd.f32 v4, v5  }
0x1ec: {  	v52 =	vld [tilespmem:s11+$0x10470]  }
0x1ed: {  	v29 =	vmul.f32 v29, v28;
	v41 =	vld [tilespmem:s11+$0x10440];
	v8 =	vmul.f32 v8, v9;
	v3 =	vadd.f32 v3, v4  }
0x1ee: {  	v32 =	vmul.f32 v32, v31;
	v35 =	vmul.f32 v35, v34;
	v4 =	vld [tilespmem:s11+$0xC310]  }
0x1ef: {  	v5 =	vld [tilespmem:s11+$0x10360];
	v8 =	vmul.f32 v60, v8;
	v60 =	vmul.f32 v23, v22;
	v2 =	vadd.f32 v2, v3  }
0x1f0: {  	v38 =	vmul.f32 v38, v37;
	v44 =	vmul.f32 v44, v43;
	v3 =	vld [tilespmem:s11+$0xC380]  }
0x1f1: {  	v47 =	vmul.f32 v47, v46;
	v1 =	vadd.f32 v1, v2;
	v2 =	vmul.f32 v55, v54;
	v54 =	vld [tilespmem:s11+$0xC3E0]  }
0x1f2: {  	v50 =	vmul.f32 v50, v49;
	v55 =	vmul.f32 v63, v62;
	v63 =	vld [tilespmem:s11+$0x14360]  }
0x1f3: {  	v41 =	vmul.f32 v41, v40;
	v4 =	vmul.f32 v7, v4;
	v7 =	vld [tilespmem:s11+$0xC360]  }
0x1f4: {  	v62 =	vmul.f32 v26, v25;
	v0 =	vadd.f32 v0, v1;
	v1 =	vmul.f32 v57, v56;
	v56 =	vld [tilespmem:s11+$0x103E0]  }
0x1f5: {  	v2 =	vmul.f32 v17, v2;
	v4 =	vmul.f32 v61, v4;
	v61 =	vld [tilespmem:s11+$0x10460]  }
0x1f6: {  	v57 =	vmul.f32 v19, v18;
	v3 =	vmul.f32 v6, v3;
	v0 =	vadd.f32 v53, v0;
	v53 =	vld [tilespmem:s11+$0x143D0]  }
0x1f7: {  	v10 =	vmul.f32 v24, v55;
	v4 =	vadd.f32 v4, v8;
	v8 =	vmul.f32 v30, v60;
	v30 =	vld [tilespmem:s11+$0xC370]  }
0x1f8: {  	v3 =	vmul.f32 v16, v3;
	[tilespmem:s11+$0x18480] =	vst v0;
	v0 =	vmul.f32 v59, v58;
	v58 =	vld [tilespmem:s11+$0x14450]  }
0x1f9: {  	v1 =	vmul.f32 v20, v1;
	v12 =	vmul.f32 v27, v57;
	v59 =	vld [tilespmem:s11+$0xC460]  }
0x1fa: {  	v5 =	vmul.f32 v5, v7;
	v2 =	vadd.f32 v2, v3;
	v3 =	vmul.f32 v33, v62;
	v33 =	vld [tilespmem:s11+$0x10370]  }
0x1fb: {  	v4 =	vadd.f32 v10, v4;
	v10 =	vmul.f32 v39, v32;
	v39 =	vld [tilespmem:s11+$0xC3F0];
	v0 =	vmul.f32 v21, v0  }
0x1fc: {  	v54 =	vmul.f32 v56, v54;
	v2 =	vadd.f32 v12, v2;
	v12 =	vmul.f32 v42, v35;
	v42 =	vld [tilespmem:s11+$0x103F0]  }
0x1fd: {  	v3 =	vadd.f32 v3, v4;
	v4 =	vmul.f32 v48, v41;
	v48 =	vld [tilespmem:s11+$0xC470];
	v0 =	vadd.f32 v0, v1  }
0x1fe: {  	v6 =	vmul.f32 v53, v47;
	v53 =	vld [tilespmem:s11+$0x14370];
	v1 =	vmul.f32 v36, v29  }
0x1ff: {  	v5 =	vmul.f32 v63, v5;
	v36 =	vld [tilespmem:s11+$0x143E0];
	v3 =	vadd.f32 v12, v3;
	v0 =	vadd.f32 v8, v0  }
0x200: {  	v1 =	vadd.f32 v1, v2;
	v8 =	vmul.f32 v45, v38;
	v45 =	vld [tilespmem:s11+$0x14460];
	v2 =	vmul.f32 v51, v44  }
0x201: {  	v56 =	vld [tilespmem:s11+$0x143F0];
	v55 =	vmul.f32 v58, v50;
	v57 =	vmul.f32 v61, v59;
	v0 =	vadd.f32 v10, v0  }
0x202: {  	v58 =	vld [tilespmem:s11+$0x14470];
	v59 =	vmul.f32 v33, v30;
	v1 =	vadd.f32 v8, v1;
	v2 =	vadd.f32 v2, v3  }
0x203: {  	v60 =	vmul.f32 v42, v39;
	v61 =	vmul.f32 v52, v48;
	v0 =	vadd.f32 v4, v0  }
0x204: {  	v1 =	vadd.f32 v6, v1;
	v4 =	vmul.f32 v36, v54;
	v2 =	vadd.f32 v5, v2  }
0x205: {  	v6 =	vmul.f32 v53, v59;
	v3 =	vmul.f32 v45, v57;
	v0 =	vadd.f32 v55, v0  }
0x206: {  	v62 =	vmul.f32 v56, v60;
	v1 =	vadd.f32 v4, v1  }
0x207: {  	v63 =	vmul.f32 v58, v61;
	v2 =	vadd.f32 v6, v2;
	v0 =	vadd.f32 v3, v0  }
0x208: {  	v1 =	vadd.f32 v62, v1  }
0x209: {  	s10 =	sadd.s32 s10, s18;
	[tilespmem:s11+$0x18300] =	vst v2;
	v0 =	vadd.f32 v63, v0  }
0x20a: {  	s10 =	sshll.u32 s10, $0x4;
	[tilespmem:s11+$0x18380] =	vst v1  }
.Ltmp4:
0x20b: {  	s10 =	sadd.s32 s8, s10;
	[tilespmem:s11+$0x18400] =	vst v0;
	(pc) =	sbr.rel @p0 .LBB2_8-.Ltmp4, $4  }
0x20c: {  	[hbm4b:s10+s4] =	stream.linear.scatter [tilespmem:s28], [sflag:$0x5], $0x4000, $0x38;
	[tilespmem:$0x1C300] =	vst v63  }
0x20d: {  	_ =	swait.ge [sflag:s29], $0x4000  }
0x20e: {  	[sflag:s29] =	ssyncset.done $0x0  }
0x20f: {  	[sflag:s29] =	ssyncadd.s32 $0xFFFFC000  }
0x210: {  	_ =	swait.ge [sflag:s30], $0x80  }
0x211: {  	[sflag:s30] =	ssyncset.done $0x0  }
0x212: {  	[sflag:s30] =	ssyncadd.s32 $0xFFFFFF80  }
0x213: {  	_ =	swait.ge [sflag:s30], $0x80  }
0x214: {  	[sflag:s30] =	ssyncset.done $0x0  }
0x215: {  	[sflag:s30] =	ssyncadd.s32 $0xFFFFFF80  }
0x216: {  	_ =	swait.ge [sflag:s30], $0x80  }
0x217: {  	[sflag:s30] =	ssyncset.done $0x0  }
0x218: {  	[sflag:s30] =	ssyncadd.s32 $0xFFFFFF80  }
0x219: {  	[tilespmem:s31], [sflag:$0x2] =	stream.indirect.gather [hbm4b:s1+s20], $0x80, s22, s20, $0xb8;
	[tilespmem:$0x1C300] =	vst v63  }
.Ltmp5:
0x21a: {  	_ = 	snop;
	(pc) =	sbr.rel .LBB2_2-.Ltmp5, $4  }
0x21b: {  	_ = 	snop  }
0x21c: {  	[tilespmem:s0], [sflag:$0x2] =	stream.indirect.gather [hbm4b:s1+s20], $0x80, s23, s20, $0xb8;
	[tilespmem:$0x1C300] =	vst v63  }
0x21d: {  	s9 =	sadd.s32 $0x1, s9  }
0x21e: {  	[tilespmem:s2], [sflag:$0x2] =	stream.indirect.gather [hbm4b:s3+s20], $0x80, s24, s20, $0xb8;
	[tilespmem:$0x1C300] =	vst v63  }
.LBB2_9:
0x21f: {  	_ =	sfence.sel $0x180000  }
0x220: {  	[bflag:$0x0] =	sbarrier.arrive $0xFFFF  }
0x221: {  	_ =	strace $0x90000047  }
0x222: {  	s0 =	stileid.u32;
	[bflag:$0x2] =	sbarrier.arrive $0xFFFF  }
0x223: {  	p0 =	sne.s32 s0, $0x0;
	s0 =	rddreg [dreg:$0x3]  }
0x224: {  	s0 =	sadd.s32 @!p0 $0x100000, s0  }
0x225: {  	[sflag:s0] =	ssyncadd.tile.s32 @!p0 $0x1;
	_ =	shalt  }
.Lfunc_end2:
_tile_overlayer_lowered:
.L_overlay_start_2:
0x226: {  	(tag) =	ssettag $0x2  }
0x227: {  	s0 =	rddreg [dreg:$0x0];
	s2 =	stileid.u32  }
0x228: {  	s1 =	rddreg [dreg:$0x1];
	p0 =	sne.s32 s2, $0x0  }
0x229: {  	s3 =	rddreg [dreg:$0x2];
	[bflag:$0x3] =	sbarrier.arrive $0xFFFF;
	s2 =	simm.s32 @!p0 $0x1C05  }
0x22a: {  	[timem:s3], [sflag:s2] =	dma.local @!p0 [hbm:s0], s1  }
0x22b: {  	s0 =	simm.s32 @!p0 $0x5  }
0x22c: {  	_ =	swait.ge @!p0 [sflag:s0], s1  }
0x22d: {  	s1 =	ssub.s32 @!p0 $0x0, s1;
	[sflag:s0] =	ssyncset.done @!p0 $0x0  }
0x22e: {  	[sflag:s0] =	ssyncadd.s32 @!p0 s1  }
0x22f: {  	[bflag:$0x3] =	sbarrier.arrive $0xFFFF  }
0x230: {  	_ =	shalt  }

</sc_bundles>
